<compile_context>
chip_gen: v7x
topology: tpu7x:2x2x1
jax: 0.10.2.dev20260603
libtpu: 0.0.44.dev20260713+nightly
codegen_flags: <defaults>
</compile_context>

<pallas_src>
import functools

import jax
import jax.numpy as jnp
import numpy as np
from jax import lax
from jax.experimental import pallas as pl
from jax.experimental.pallas import tpu as pltpu
from jax.experimental.pallas import tpu_sc as plsc

N_NODES = 10000
N_EDGES = 320000
D = 128
HID = 128
OUT = 128
H = 16
HEAD_DIM = 8
INV_SQRT_HD = 1.0 / np.sqrt(HEAD_DIM)

EW = 128

NC = 2
NS = 16
NW = NC * NS
EPW = N_EDGES // NW
BLK = 80
N_PAD = 10240
NPT = N_PAD // NS


def _ln_relu(y, g, be):
    mu = jnp.mean(y, axis=-1, keepdims=True)
    var = jnp.mean((y - mu) * (y - mu), axis=-1, keepdims=True)
    y = (y - mu) * lax.rsqrt(var + 1e-5) * g + be
    return jnp.maximum(y, 0.0)



def _phase_a_body(h_ref, w1_ref, b1_ref, g_ref, be_ref, w2_ref, b2_ref, out_ref):
    x = h_ref[...]
    y = jnp.dot(x, w1_ref[...], preferred_element_type=jnp.float32) + b1_ref[...]
    y = _ln_relu(y, g_ref[...], be_ref[...])
    q = jnp.dot(y, w2_ref[...], preferred_element_type=jnp.float32) + b2_ref[...]
    out_ref[:, :D] = x
    out_ref[:, D:] = q


def _phase_a(h, pq):
    bn = 2000
    grid = (N_NODES // bn,)
    full = lambda shape: pl.BlockSpec(shape, lambda i: (0, 0))
    return pl.pallas_call(
        _phase_a_body,
        grid=grid,
        in_specs=[
            pl.BlockSpec((bn, D), lambda i: (i, 0)),
            full((D, HID)), full((1, HID)), full((1, HID)), full((1, HID)),
            full((HID, OUT)), full((1, OUT)),
        ],
        out_specs=pl.BlockSpec((bn, 2 * D), lambda i: (i, 0)),
        out_shape=jax.ShapeDtypeStruct((N_NODES, 2 * D), jnp.float32),
    )(h, pq['W1'], pq['b1'].reshape(1, -1), pq['g'].reshape(1, -1),
      pq['be'].reshape(1, -1), pq['W2'], pq['b2'].reshape(1, -1))



def _phase_b_body(table_hbm, h_hbm, dst_hbm, src_hbm, g1_hbm, g2_hbm,
                  idxd, idxs, buf1, buf2, sem1, sem2):
    wid = lax.axis_index("s") * NC + lax.axis_index("c")
    base0 = wid * EPW
    nblk = EPW // BLK

    def fetch(i, sl):
        base = base0 + i * BLK
        pltpu.sync_copy(dst_hbm.at[pl.ds(base, BLK)], idxd.at[sl])
        pltpu.sync_copy(src_hbm.at[pl.ds(base, BLK)], idxs.at[sl])
        pltpu.async_copy(table_hbm.at[idxd.at[sl]], buf1.at[sl], sem1.at[sl])
        pltpu.async_copy(h_hbm.at[idxs.at[sl]], buf2.at[sl], sem2.at[sl])

    def wait_slot(sl):
        pltpu.make_async_copy(
            table_hbm.at[idxd.at[sl]], buf1.at[sl], sem1.at[sl]).wait()
        pltpu.make_async_copy(
            h_hbm.at[idxs.at[sl]], buf2.at[sl], sem2.at[sl]).wait()

    fetch(0, 0)

    def step(i, _):
        sl = lax.rem(i, 2)
        lax.cond(i + 1 < nblk,
                 lambda: fetch(i + 1, 1 - sl),
                 lambda: None)
        wait_slot(sl)
        base = base0 + i * BLK
        pltpu.sync_copy(buf1.at[sl], g1_hbm.at[pl.ds(base, BLK)])
        pltpu.sync_copy(buf2.at[sl], g2_hbm.at[pl.ds(base, BLK)])
        return 0

    lax.fori_loop(0, nblk, step, 0)


def _phase_b(table, h, dst, src):
    mesh = plsc.VectorSubcoreMesh(core_axis_name="c", subcore_axis_name="s")
    k = pl.kernel(
        _phase_b_body,
        out_type=[jax.ShapeDtypeStruct((N_EDGES, 2 * D), jnp.float32),
                  jax.ShapeDtypeStruct((N_EDGES, D), jnp.float32)],
        mesh=mesh,
        scratch_types=[
            pltpu.VMEM((2, BLK), jnp.int32),
            pltpu.VMEM((2, BLK), jnp.int32),
            pltpu.VMEM((2, BLK, 2 * D), jnp.float32),
            pltpu.VMEM((2, BLK, D), jnp.float32),
            pltpu.SemaphoreType.DMA((2,)),
            pltpu.SemaphoreType.DMA((2,)),
        ],
    )
    return k(table, h, dst, src)



def _phase_c_body(g1_ref, g2_ref, ef_ref, rf_ref, rx_ref,
                  w1k_ref, gk_ref, bek_ref, w2k_ref,
                  w1v_ref, gv_ref, bev_ref, w2v_ref,
                  b1k_ref, b2k_ref, b1v_ref, b2v_ref,
                  eww_ref, ewb_ref, hsel_ref, rsel_ref, out_ref):
    hi = g1_ref[:, :D]
    qd = g1_ref[:, D:]
    hj = g2_ref[...]
    ef = ef_ref[...]
    rf = rf_ref[...]

    def mlp_pre(w1_ref, b1, g, be):
        y = (jnp.dot(ef, w1_ref[0:16, :], preferred_element_type=jnp.float32)
             + jnp.dot(rf, w1_ref[16:32, :], preferred_element_type=jnp.float32)
             + jnp.dot(hi, w1_ref[32:160, :], preferred_element_type=jnp.float32)
             + jnp.dot(hj, w1_ref[160:288, :], preferred_element_type=jnp.float32)
             + b1)
        return _ln_relu(y, g, be)

    yk = mlp_pre(w1k_ref, b1k_ref[...], gk_ref[...], bek_ref[...])
    k = jnp.dot(yk, w2k_ref[...], preferred_element_type=jnp.float32) + b2k_ref[...]
    logits = jnp.dot(qd * k, hsel_ref[...], preferred_element_type=jnp.float32) * INV_SQRT_HD
    ex = jnp.exp(logits)

    yv = mlp_pre(w1v_ref, b1v_ref[...], gv_ref[...], bev_ref[...])
    vs = jnp.dot(yv, w2v_ref[...], preferred_element_type=jnp.float32) + b2v_ref[...]
    ew = jax.nn.sigmoid(jnp.sum(rf * eww_ref[...], axis=-1, keepdims=True)
                        + ewb_ref[:, 0:1])
    prod = ex * (vs * ew)

    rxb = jnp.dot(rx_ref[...], rsel_ref[...], preferred_element_type=jnp.float32)
    prod3 = jnp.concatenate([prod, prod, prod], axis=-1) * rxb
    out_ref[...] = jnp.concatenate(
        [ex, prod3, jnp.zeros_like(ex), prod3 * 0.0], axis=-1)


def _phase_c(g1, g2, edge_feat, r_feat, rx8, pk, pv, pew):
    be_ = 512
    grid = (N_EDGES // be_,)
    data = lambda w: pl.BlockSpec((be_, w), lambda i: (i, 0))
    full = lambda shape: pl.BlockSpec(shape, lambda i: (0, 0))

    hsel = np.repeat(np.eye(H, dtype=np.float32), HEAD_DIM, axis=0)
    rsel = np.zeros((8, 3 * H), np.float32)
    for d_ in range(3):
        rsel[d_, d_ * H:(d_ + 1) * H] = 1.0

    kin = 2 * D + 32
    return pl.pallas_call(
        _phase_c_body,
        grid=grid,
        in_specs=[
            data(2 * D), data(D), data(16), data(16), data(8),
            full((kin, HID)), full((1, HID)), full((1, HID)), full((HID, OUT)),
            full((kin, HID)), full((1, HID)), full((1, HID)), full((HID, H)),
            full((1, HID)), full((1, OUT)), full((1, HID)), full((1, H)),
            full((1, 16)), full((1, 16)), full((D, H)), full((8, 3 * H)),
        ],
        out_specs=pl.BlockSpec((be_, EW), lambda i: (i, 0)),
        out_shape=jax.ShapeDtypeStruct((N_EDGES, EW), jnp.float32),
    )(g1, g2, edge_feat, r_feat, rx8,
      pk['W1'], pk['g'].reshape(1, -1), pk['be'].reshape(1, -1), pk['W2'],
      pv['W1'], pv['g'].reshape(1, -1), pv['be'].reshape(1, -1), pv['W2'],
      pk['b1'].reshape(1, -1), pk['b2'].reshape(1, -1),
      pv['b1'].reshape(1, -1), pv['b2'].reshape(1, -1),
      pew['W'].reshape(1, -1), jnp.broadcast_to(pew['b'].reshape(1, 1), (1, 16)),
      jnp.asarray(hsel), jnp.asarray(rsel))



def _phase_d_body(vals_hbm, dst_hbm, zeros_hbm, out_hbm, idx, buf, acc_sh, sem):
    c = lax.axis_index("c")
    s = lax.axis_index("s")
    wid = s * NC + c
    base0 = wid * EPW

    pltpu.sync_copy(zeros_hbm.at[pl.ds(0, NPT)], acc_sh.at[pl.ds(s * NPT, NPT)])
    plsc.subcore_barrier()

    nblk = EPW // BLK

    def fetch(i, sl):
        base = base0 + i * BLK
        pltpu.sync_copy(dst_hbm.at[pl.ds(base, BLK)], idx.at[sl])
        pltpu.async_copy(vals_hbm.at[pl.ds(base, BLK)], buf.at[sl], sem.at[sl])

    fetch(0, 0)

    def step(i, _):
        sl = lax.rem(i, 2)
        lax.cond(i + 1 < nblk,
                 lambda: fetch(i + 1, 1 - sl),
                 lambda: None)
        base = base0 + i * BLK
        pltpu.make_async_copy(
            vals_hbm.at[pl.ds(base, BLK)], buf.at[sl], sem.at[sl]).wait()
        pltpu.sync_copy(buf.at[sl], acc_sh.at[idx.at[sl]], add=True)
        return 0

    lax.fori_loop(0, nblk, step, 0)

    plsc.subcore_barrier()
    pltpu.sync_copy(acc_sh.at[pl.ds(s * NPT, NPT)],
                    out_hbm.at[c, pl.ds(s * NPT, NPT)])


def _phase_d(vals, dst, zeros):
    mesh = plsc.VectorSubcoreMesh(core_axis_name="c", subcore_axis_name="s")
    k = pl.kernel(
        _phase_d_body,
        out_type=jax.ShapeDtypeStruct((NC, N_PAD, EW), jnp.float32),
        mesh=mesh,
        scratch_types=[
            pltpu.VMEM((2, BLK), jnp.int32),
            pltpu.VMEM((2, BLK, EW), jnp.float32),
            pltpu.MemorySpace.VMEM_SHARED((N_PAD, EW), jnp.float32),
            pltpu.SemaphoreType.DMA((2,)),
        ],
    )
    return k(vals, dst, zeros)



def _phase_e_body(acc_ref, out_ref):
    a = acc_ref[0] + acc_ref[1]
    inv = 1.0 / ((a[:, :H] + 1e-16) * float(H))
    o0 = jnp.sum(a[:, H:2 * H] * inv, axis=-1, keepdims=True)
    o1 = jnp.sum(a[:, 2 * H:3 * H] * inv, axis=-1, keepdims=True)
    o2 = jnp.sum(a[:, 3 * H:4 * H] * inv, axis=-1, keepdims=True)
    out_ref[...] = jnp.concatenate([o0, o1, o2, o0 * 0.0], axis=-1)


def _phase_e(acc):
    bn = 2000
    grid = (N_NODES // bn,)
    return pl.pallas_call(
        _phase_e_body,
        grid=grid,
        in_specs=[pl.BlockSpec((NC, bn, EW), lambda i: (0, i, 0))],
        out_specs=pl.BlockSpec((bn, 4), lambda i: (i, 0)),
        out_shape=jax.ShapeDtypeStruct((N_NODES, 4), jnp.float32),
    )(acc)



def kernel(h, rel_x, r_feat, edge_feat, edge_index, params):
    src = edge_index[0]
    dst = edge_index[1]
    table = _phase_a(h, params['xq'])
    g1, g2 = _phase_b(table, h, dst, src)
    rx8 = jnp.concatenate(
        [rel_x, jnp.zeros((N_EDGES, 5), jnp.float32)], axis=1)
    ev = _phase_c(g1, g2, edge_feat, r_feat, rx8,
                  params['xk'], params['xv'], params['ew'])
    zeros = jnp.zeros((NPT, EW), jnp.float32)
    acc = _phase_d(ev, dst, zeros)
    out4 = _phase_e(acc)
    return out4[:, :3]

# --- scband reference (transcript-rebuilt; emitter-appended) ---
"""Pipeline reference for scband-base-h2-xatt-layer-89713276879183 (READ-ONLY COPY).

The authoritative reference and input builder live on the scoring server;
editing this copy changes nothing except your own understanding.
"""

import jax, jax.numpy as jnp
import numpy as np

N_NODES = 10000
N_EDGES = 320000
D = 128
EDGE_D = 16
R_D = 16
H = 16
OUT = 128
HID = 128
HEAD_DIM = OUT // H
KV_IN = D * 2 + EDGE_D + R_D


def _mlp_params(key, in_dim, hid_dim, out_dim):
    k1, k2 = jax.random.split(key)
    return {
        'W1': jax.random.normal(k1, (in_dim, hid_dim), jnp.float32) * (1.0 / np.sqrt(in_dim)),
        'b1': jnp.zeros((hid_dim,), jnp.float32),
        'g': jnp.ones((hid_dim,), jnp.float32),
        'be': jnp.zeros((hid_dim,), jnp.float32),
        'W2': jax.random.normal(k2, (hid_dim, out_dim), jnp.float32) * (1.0 / np.sqrt(hid_dim)),
        'b2': jnp.zeros((out_dim,), jnp.float32),
    }


def setup_inputs(seed: int = 0) -> dict:
    key = jax.random.key(seed)
    ks = jax.random.split(key, 10)
    h = jax.random.normal(ks[0], (N_NODES, D), jnp.float32)
    rel_x = jax.random.normal(ks[1], (N_EDGES, 3), jnp.float32)
    r_feat = jax.random.normal(ks[2], (N_EDGES, R_D), jnp.float32)
    edge_feat = jax.random.normal(ks[3], (N_EDGES, EDGE_D), jnp.float32)
    edge_index = jax.random.randint(ks[4], (2, N_EDGES), 0, N_NODES, dtype=jnp.int32)
    params = {
        'xk': _mlp_params(ks[5], KV_IN, HID, OUT),
        'xv': _mlp_params(ks[6], KV_IN, HID, H),
        'xq': _mlp_params(ks[7], D, HID, OUT),
        'ew': {
            'W': jax.random.normal(ks[8], (R_D, 1), jnp.float32) * (1.0 / np.sqrt(R_D)),
            'b': jnp.zeros((1,), jnp.float32),
        },
    }
    return {'h': h, 'rel_x': rel_x, 'r_feat': r_feat, 'edge_feat': edge_feat, 'edge_index': edge_index, 'params': params}


def _layer_norm(x, g, b):
    mu = jnp.mean(x, axis=-1, keepdims=True)
    var = jnp.var(x, axis=-1, keepdims=True)
    return (x - mu) / jnp.sqrt(var + 1e-5) * g + b


def _mlp(x, p):
    y = x @ p['W1'] + p['b1']
    y = _layer_norm(y, p['g'], p['be'])
    y = jax.nn.relu(y)
    return y @ p['W2'] + p['b2']


def reference(h, rel_x, r_feat, edge_feat, edge_index, params):
    src = edge_index[0]
    dst = edge_index[1]
    hi = h[dst]
    hj = h[src]
    kv_input = jnp.concatenate([edge_feat, r_feat, hi, hj], axis=-1)
    k = _mlp(kv_input, params['xk']).reshape(-1, H, HEAD_DIM)
    v = _mlp(kv_input, params['xv'])
    e_w = jax.nn.sigmoid(r_feat @ params['ew']['W'] + params['ew']['b'])
    v = (v * e_w)[..., None] * rel_x[:, None, :]
    q = _mlp(h, params['xq']).reshape(-1, H, HEAD_DIM)
    logits = jnp.sum(q[dst] * k, axis=-1) / np.sqrt(HEAD_DIM)
    seg_max = jax.ops.segment_max(logits, dst, num_segments=N_NODES)
    seg_max = jnp.where(jnp.isfinite(seg_max), seg_max, 0.0)
    ex = jnp.exp(logits - seg_max[dst])
    denom = jax.ops.segment_sum(ex, dst, num_segments=N_NODES)
    alpha = ex / (denom[dst] + 1e-16)
    m = alpha[..., None] * v
    output = jax.ops.segment_sum(m, dst, num_segments=N_NODES)
    return output.mean(axis=1)

if __name__ == "__main__":
    import jax
    _d = setup_inputs()
    print(jax.jit(kernel)(*tuple(_d.values())))

</pallas_src>

<mosaic_0001>
#map = affine_map<(d0, d1) -> (0, 0)>
#map1 = affine_map<(d0, d1) -> (0)>
#map2 = affine_map<(d0, d1) -> (0, 0, 0)>
module attributes {stable_mosaic.version = 14 : i64} {
  func.func @_phase_d_body(%arg0: i32, %arg1: i32, %arg2: memref<320000x128xf32, #tpu.memory_space<hbm>>, %arg3: memref<320000xi32, #tpu.memory_space<hbm>>, %arg4: memref<640x128xf32, #tpu.memory_space<hbm>>, %arg5: memref<2x10240x128xf32, #tpu.memory_space<hbm>>, %arg6: memref<2x80xi32, #tpu.memory_space<vmem>>, %arg7: memref<2x80x128xf32, #tpu.memory_space<vmem>>, %arg8: memref<10240x128xf32, #tpu.memory_space<vmem_shared>>, %arg9: memref<2x!tpu.dma_semaphore, #tpu.memory_space<semaphore_mem>>) attributes {dimension_semantics = [#tpu.dimension_semantics<core_parallel>, #tpu.dimension_semantics<subcore_parallel>], iteration_bounds = array<i64: 2, 16>, scalar_prefetch = 0 : i64, scratch_operands = 4 : i64, tpu.core_type = #tpu.core_type<sc_vector_subcore>, window_params = [{transform_indices = #map}, {transform_indices = #map1}, {transform_indices = #map}, {transform_indices = #map2}]} {
    %mul3A = arith.constant 2 : i32
    %mul3A_0 = arith.muli %arg1, %mul3A : i32
    %add3A = arith.addi %mul3A_0, %arg0 : i32
    %mul3A_1 = arith.constant 10000 : i32
    %mul3A_2 = arith.muli %add3A, %mul3A_1 : i32
    %mul3A_3 = arith.constant 640 : i32
    %mul3A_4 = arith.muli %arg1, %mul3A_3 : i32
    "tpu.region"() ({
      %run_scoped3A_33 = tpu.sem_alloc : memref<!tpu.dma_semaphore, #tpu.memory_space<semaphore_mem>>
      %dma_start3A_34 = arith.constant 0 : i32
      %dma_start3A_35 = tpu.memref_slice %arg8[%mul3A_4, %dma_start3A_34] : memref<10240x128xf32, #tpu.memory_space<vmem_shared>> -> memref<640x128xf32, #tpu.memory_space<vmem_shared>>
      %dma_start3A_36 = arith.constant 0 : i32
      %dma_start3A_37 = arith.constant 0 : i32
      %dma_start3A_38 = tpu.memref_slice %arg4[%dma_start3A_36, %dma_start3A_37] : memref<640x128xf32, #tpu.memory_space<hbm>> -> memref<640x128xf32, #tpu.memory_space<hbm>>
      tpu.enqueue_dma source(%dma_start3A_38 : memref<640x128xf32, #tpu.memory_space<hbm>>) target(%dma_start3A_35 : memref<640x128xf32, #tpu.memory_space<vmem_shared>>) target_semaphore(%run_scoped3A_33 : memref<!tpu.dma_semaphore, #tpu.memory_space<semaphore_mem>>)
      %dma_wait3A = arith.constant 0 : i32
      %dma_wait3A_39 = tpu.memref_slice %arg8[%mul3A_4, %dma_wait3A] : memref<10240x128xf32, #tpu.memory_space<vmem_shared>> -> memref<640x128xf32, #tpu.memory_space<vmem_shared>>
      %dma_wait3A_40 = arith.constant 0 : i32
      %dma_wait3A_41 = arith.constant 0 : i32
      %dma_wait3A_42 = tpu.memref_slice %arg4[%dma_wait3A_40, %dma_wait3A_41] : memref<640x128xf32, #tpu.memory_space<hbm>> -> memref<640x128xf32, #tpu.memory_space<hbm>>
      tpu.wait_dma2 semaphore(%run_scoped3A_33 : memref<!tpu.dma_semaphore, #tpu.memory_space<semaphore_mem>>) src(%dma_wait3A_42 : memref<640x128xf32, #tpu.memory_space<hbm>>) dst(%dma_wait3A_39 : memref<640x128xf32, #tpu.memory_space<vmem_shared>>)
      tpu.yield
    }) : () -> ()
    %barrier3A = arith.constant 0 : index
    tpu.barrier barrier_id(%barrier3A)
    %add3A_5 = arith.constant 0 : i32
    %add3A_6 = arith.addi %mul3A_2, %add3A_5 : i32
    %run_scoped3A = arith.constant 0 : i32
    "tpu.region"() ({
      %run_scoped3A_33 = tpu.sem_alloc : memref<!tpu.dma_semaphore, #tpu.memory_space<semaphore_mem>>
      %dma_start3A_34 = arith.constant 0 : i32
      %dma_start3A_35 = tpu.memref_slice %arg6[%run_scoped3A, %dma_start3A_34] : memref<2x80xi32, #tpu.memory_space<vmem>> -> memref<1x80xi32, #tpu.memory_space<vmem>>
      %dma_start3A_36 = tpu.memref_squeeze %dma_start3A_35 : memref<1x80xi32, #tpu.memory_space<vmem>> -> memref<80xi32, #tpu.memory_space<vmem>>
      %dma_start3A_37 = tpu.memref_slice %arg3[%add3A_6] : memref<320000xi32, #tpu.memory_space<hbm>> -> memref<80xi32, #tpu.memory_space<hbm>>
      %dma_start3A_38 = arith.constant 0 : i32
      %dma_start3A_39 = tpu.memref_slice %arg6[%run_scoped3A, %dma_start3A_38] : memref<2x80xi32, #tpu.memory_space<vmem>> -> memref<1x80xi32, #tpu.memory_space<vmem>>
      %dma_start3A_40 = tpu.memref_squeeze %dma_start3A_39 : memref<1x80xi32, #tpu.memory_space<vmem>> -> memref<80xi32, #tpu.memory_space<vmem>>
      %dma_start3A_41 = tpu.memref_slice %arg3[%add3A_6] : memref<320000xi32, #tpu.memory_space<hbm>> -> memref<80xi32, #tpu.memory_space<hbm>>
      tpu.enqueue_dma source(%dma_start3A_41 : memref<80xi32, #tpu.memory_space<hbm>>) target(%dma_start3A_40 : memref<80xi32, #tpu.memory_space<vmem>>) target_semaphore(%run_scoped3A_33 : memref<!tpu.dma_semaphore, #tpu.memory_space<semaphore_mem>>)
      %dma_wait3A = arith.constant 0 : i32
      %dma_wait3A_42 = tpu.memref_slice %arg6[%run_scoped3A, %dma_wait3A] : memref<2x80xi32, #tpu.memory_space<vmem>> -> memref<1x80xi32, #tpu.memory_space<vmem>>
      %dma_wait3A_43 = tpu.memref_squeeze %dma_wait3A_42 : memref<1x80xi32, #tpu.memory_space<vmem>> -> memref<80xi32, #tpu.memory_space<vmem>>
      %dma_wait3A_44 = tpu.memref_slice %arg3[%add3A_6] : memref<320000xi32, #tpu.memory_space<hbm>> -> memref<80xi32, #tpu.memory_space<hbm>>
      %dma_wait3A_45 = arith.constant 0 : i32
      %dma_wait3A_46 = tpu.memref_slice %arg6[%run_scoped3A, %dma_wait3A_45] : memref<2x80xi32, #tpu.memory_space<vmem>> -> memref<1x80xi32, #tpu.memory_space<vmem>>
      %dma_wait3A_47 = tpu.memref_squeeze %dma_wait3A_46 : memref<1x80xi32, #tpu.memory_space<vmem>> -> memref<80xi32, #tpu.memory_space<vmem>>
      %dma_wait3A_48 = tpu.memref_slice %arg3[%add3A_6] : memref<320000xi32, #tpu.memory_space<hbm>> -> memref<80xi32, #tpu.memory_space<hbm>>
      tpu.wait_dma2 semaphore(%run_scoped3A_33 : memref<!tpu.dma_semaphore, #tpu.memory_space<semaphore_mem>>) src(%dma_wait3A_48 : memref<80xi32, #tpu.memory_space<hbm>>) dst(%dma_wait3A_47 : memref<80xi32, #tpu.memory_space<vmem>>)
      tpu.yield
    }) : () -> ()
    %dma_start3A = arith.constant 0 : i32
    %dma_start3A_7 = arith.constant 0 : i32
    %dma_start3A_8 = arith.constant 0 : i32
    %dma_start3A_9 = arith.constant 0 : i32
    %dma_start3A_10 = tpu.memref_slice %arg7[%dma_start3A, %dma_start3A_8, %dma_start3A_9] : memref<2x80x128xf32, #tpu.memory_space<vmem>> -> memref<1x80x128xf32, #tpu.memory_space<vmem>>
    %dma_start3A_11 = tpu.memref_squeeze %dma_start3A_10 : memref<1x80x128xf32, #tpu.memory_space<vmem>> -> memref<80x128xf32, #tpu.memory_space<vmem>>
    %dma_start3A_12 = arith.constant 0 : i32
    %dma_start3A_13 = tpu.memref_slice %arg2[%add3A_6, %dma_start3A_12] : memref<320000x128xf32, #tpu.memory_space<hbm>> -> memref<80x128xf32, #tpu.memory_space<hbm>>
    %dma_start3A_14 = tpu.memref_slice %arg9[%dma_start3A_7] : memref<2x!tpu.dma_semaphore, #tpu.memory_space<semaphore_mem>> -> memref<1x!tpu.dma_semaphore, #tpu.memory_space<semaphore_mem>>
    %dma_start3A_15 = tpu.memref_squeeze %dma_start3A_14 : memref<1x!tpu.dma_semaphore, #tpu.memory_space<semaphore_mem>> -> memref<!tpu.dma_semaphore, #tpu.memory_space<semaphore_mem>>
    %dma_start3A_16 = arith.constant 0 : i32
    %dma_start3A_17 = arith.constant 0 : i32
    %dma_start3A_18 = tpu.memref_slice %arg7[%dma_start3A, %dma_start3A_16, %dma_start3A_17] : memref<2x80x128xf32, #tpu.memory_space<vmem>> -> memref<1x80x128xf32, #tpu.memory_space<vmem>>
    %dma_start3A_19 = tpu.memref_squeeze %dma_start3A_18 : memref<1x80x128xf32, #tpu.memory_space<vmem>> -> memref<80x128xf32, #tpu.memory_space<vmem>>
    %dma_start3A_20 = arith.constant 0 : i32
    %dma_start3A_21 = tpu.memref_slice %arg2[%add3A_6, %dma_start3A_20] : memref<320000x128xf32, #tpu.memory_space<hbm>> -> memref<80x128xf32, #tpu.memory_space<hbm>>
    tpu.enqueue_dma source(%dma_start3A_21 : memref<80x128xf32, #tpu.memory_space<hbm>>) target(%dma_start3A_19 : memref<80x128xf32, #tpu.memory_space<vmem>>) target_semaphore(%dma_start3A_15 : memref<!tpu.dma_semaphore, #tpu.memory_space<semaphore_mem>>)
    %scan3A = arith.constant 0 : i32
    %scan3A_22 = arith.constant 0 : i32
    %scan3A_23 = arith.constant 125 : i32
    %scan3A_24 = arith.addi %scan3A_22, %scan3A_23 : i32
    %scan3A_25 = arith.constant 1 : i32
    %scan3A_26 = scf.for %scan3A_33 = %scan3A_22 to %scan3A_24 step %scan3A_25 iter_args(%scan3A_34 = %scan3A) -> (i32)  : i32 {
      %rem3A = arith.constant 2 : i32
      %rem3A_35 = arith.remsi %scan3A_33, %rem3A : i32
      %add3A_36 = arith.constant 1 : i32
      %add3A_37 = arith.addi %scan3A_33, %add3A_36 : i32
      %lt3A = arith.constant 125 : i32
      %lt3A_38 = arith.cmpi slt, %add3A_37, %lt3A : i32
      %convert_element_type3A = arith.extui %lt3A_38 : i1 to i32
      %cond3A = arith.constant 0 : i32
      %cond3A_39 = arith.cmpi ne, %convert_element_type3A, %cond3A : i32
      scf.if %cond3A_39 {
        %add3A_57 = arith.constant 1 : i32
        %add3A_58 = arith.addi %scan3A_33, %add3A_57 : i32
        %sub3A = arith.constant 1 : i32
        %sub3A_59 = arith.subi %sub3A, %rem3A_35 : i32
        %mul3A_60 = arith.constant 80 : i32
        %mul3A_61 = arith.muli %add3A_58, %mul3A_60 : i32
        %add3A_62 = arith.addi %mul3A_2, %mul3A_61 : i32
        "tpu.region"() ({
          %run_scoped3A_77 = tpu.sem_alloc : memref<!tpu.dma_semaphore, #tpu.memory_space<semaphore_mem>>
          %dma_start3A_78 = arith.constant 0 : i32
          %dma_start3A_79 = tpu.memref_slice %arg6[%sub3A_59, %dma_start3A_78] : memref<2x80xi32, #tpu.memory_space<vmem>> -> memref<1x80xi32, #tpu.memory_space<vmem>>
          %dma_start3A_80 = tpu.memref_squeeze %dma_start3A_79 : memref<1x80xi32, #tpu.memory_space<vmem>> -> memref<80xi32, #tpu.memory_space<vmem>>
          %dma_start3A_81 = tpu.memref_slice %arg3[%add3A_62] : memref<320000xi32, #tpu.memory_space<hbm>> -> memref<80xi32, #tpu.memory_space<hbm>>
          %dma_start3A_82 = arith.constant 0 : i32
          %dma_start3A_83 = tpu.memref_slice %arg6[%sub3A_59, %dma_start3A_82] : memref<2x80xi32, #tpu.memory_space<vmem>> -> memref<1x80xi32, #tpu.memory_space<vmem>>
          %dma_start3A_84 = tpu.memref_squeeze %dma_start3A_83 : memref<1x80xi32, #tpu.memory_space<vmem>> -> memref<80xi32, #tpu.memory_space<vmem>>
          %dma_start3A_85 = tpu.memref_slice %arg3[%add3A_62] : memref<320000xi32, #tpu.memory_space<hbm>> -> memref<80xi32, #tpu.memory_space<hbm>>
          tpu.enqueue_dma source(%dma_start3A_85 : memref<80xi32, #tpu.memory_space<hbm>>) target(%dma_start3A_84 : memref<80xi32, #tpu.memory_space<vmem>>) target_semaphore(%run_scoped3A_77 : memref<!tpu.dma_semaphore, #tpu.memory_space<semaphore_mem>>)
          %dma_wait3A_86 = arith.constant 0 : i32
          %dma_wait3A_87 = tpu.memref_slice %arg6[%sub3A_59, %dma_wait3A_86] : memref<2x80xi32, #tpu.memory_space<vmem>> -> memref<1x80xi32, #tpu.memory_space<vmem>>
          %dma_wait3A_88 = tpu.memref_squeeze %dma_wait3A_87 : memref<1x80xi32, #tpu.memory_space<vmem>> -> memref<80xi32, #tpu.memory_space<vmem>>
          %dma_wait3A_89 = tpu.memref_slice %arg3[%add3A_62] : memref<320000xi32, #tpu.memory_space<hbm>> -> memref<80xi32, #tpu.memory_space<hbm>>
          %dma_wait3A_90 = arith.constant 0 : i32
          %dma_wait3A_91 = tpu.memref_slice %arg6[%sub3A_59, %dma_wait3A_90] : memref<2x80xi32, #tpu.memory_space<vmem>> -> memref<1x80xi32, #tpu.memory_space<vmem>>
          %dma_wait3A_92 = tpu.memref_squeeze %dma_wait3A_91 : memref<1x80xi32, #tpu.memory_space<vmem>> -> memref<80xi32, #tpu.memory_space<vmem>>
          %dma_wait3A_93 = tpu.memref_slice %arg3[%add3A_62] : memref<320000xi32, #tpu.memory_space<hbm>> -> memref<80xi32, #tpu.memory_space<hbm>>
          tpu.wait_dma2 semaphore(%run_scoped3A_77 : memref<!tpu.dma_semaphore, #tpu.memory_space<semaphore_mem>>) src(%dma_wait3A_93 : memref<80xi32, #tpu.memory_space<hbm>>) dst(%dma_wait3A_92 : memref<80xi32, #tpu.memory_space<vmem>>)
          tpu.yield
        }) : () -> ()
        %dma_start3A_63 = arith.constant 0 : i32
        %dma_start3A_64 = arith.constant 0 : i32
        %dma_start3A_65 = tpu.memref_slice %arg7[%sub3A_59, %dma_start3A_63, %dma_start3A_64] : memref<2x80x128xf32, #tpu.memory_space<vmem>> -> memref<1x80x128xf32, #tpu.memory_space<vmem>>
        %dma_start3A_66 = tpu.memref_squeeze %dma_start3A_65 : memref<1x80x128xf32, #tpu.memory_space<vmem>> -> memref<80x128xf32, #tpu.memory_space<vmem>>
        %dma_start3A_67 = arith.constant 0 : i32
        %dma_start3A_68 = tpu.memref_slice %arg2[%add3A_62, %dma_start3A_67] : memref<320000x128xf32, #tpu.memory_space<hbm>> -> memref<80x128xf32, #tpu.memory_space<hbm>>
        %dma_start3A_69 = tpu.memref_slice %arg9[%sub3A_59] : memref<2x!tpu.dma_semaphore, #tpu.memory_space<semaphore_mem>> -> memref<1x!tpu.dma_semaphore, #tpu.memory_space<semaphore_mem>>
        %dma_start3A_70 = tpu.memref_squeeze %dma_start3A_69 : memref<1x!tpu.dma_semaphore, #tpu.memory_space<semaphore_mem>> -> memref<!tpu.dma_semaphore, #tpu.memory_space<semaphore_mem>>
        %dma_start3A_71 = arith.constant 0 : i32
        %dma_start3A_72 = arith.constant 0 : i32
        %dma_start3A_73 = tpu.memref_slice %arg7[%sub3A_59, %dma_start3A_71, %dma_start3A_72] : memref<2x80x128xf32, #tpu.memory_space<vmem>> -> memref<1x80x128xf32, #tpu.memory_space<vmem>>
        %dma_start3A_74 = tpu.memref_squeeze %dma_start3A_73 : memref<1x80x128xf32, #tpu.memory_space<vmem>> -> memref<80x128xf32, #tpu.memory_space<vmem>>
        %dma_start3A_75 = arith.constant 0 : i32
        %dma_start3A_76 = tpu.memref_slice %arg2[%add3A_62, %dma_start3A_75] : memref<320000x128xf32, #tpu.memory_space<hbm>> -> memref<80x128xf32, #tpu.memory_space<hbm>>
        tpu.enqueue_dma source(%dma_start3A_76 : memref<80x128xf32, #tpu.memory_space<hbm>>) target(%dma_start3A_74 : memref<80x128xf32, #tpu.memory_space<vmem>>) target_semaphore(%dma_start3A_70 : memref<!tpu.dma_semaphore, #tpu.memory_space<semaphore_mem>>)
      } else {
      }
      %mul3A_40 = arith.constant 80 : i32
      %mul3A_41 = arith.muli %scan3A_33, %mul3A_40 : i32
      %add3A_42 = arith.addi %mul3A_2, %mul3A_41 : i32
      %dma_wait3A = arith.constant 0 : i32
      %dma_wait3A_43 = arith.constant 0 : i32
      %dma_wait3A_44 = tpu.memref_slice %arg7[%rem3A_35, %dma_wait3A, %dma_wait3A_43] : memref<2x80x128xf32, #tpu.memory_space<vmem>> -> memref<1x80x128xf32, #tpu.memory_space<vmem>>
      %dma_wait3A_45 = tpu.memref_squeeze %dma_wait3A_44 : memref<1x80x128xf32, #tpu.memory_space<vmem>> -> memref<80x128xf32, #tpu.memory_space<vmem>>
      %dma_wait3A_46 = arith.constant 0 : i32
      %dma_wait3A_47 = tpu.memref_slice %arg2[%add3A_42, %dma_wait3A_46] : memref<320000x128xf32, #tpu.memory_space<hbm>> -> memref<80x128xf32, #tpu.memory_space<hbm>>
      %dma_wait3A_48 = tpu.memref_slice %arg9[%rem3A_35] : memref<2x!tpu.dma_semaphore, #tpu.memory_space<semaphore_mem>> -> memref<1x!tpu.dma_semaphore, #tpu.memory_space<semaphore_mem>>
      %dma_wait3A_49 = tpu.memref_squeeze %dma_wait3A_48 : memref<1x!tpu.dma_semaphore, #tpu.memory_space<semaphore_mem>> -> memref<!tpu.dma_semaphore, #tpu.memory_space<semaphore_mem>>
      %dma_wait3A_50 = arith.constant 0 : i32
      %dma_wait3A_51 = arith.constant 0 : i32
      %dma_wait3A_52 = tpu.memref_slice %arg7[%rem3A_35, %dma_wait3A_50, %dma_wait3A_51] : memref<2x80x128xf32, #tpu.memory_space<vmem>> -> memref<1x80x128xf32, #tpu.memory_space<vmem>>
      %dma_wait3A_53 = tpu.memref_squeeze %dma_wait3A_52 : memref<1x80x128xf32, #tpu.memory_space<vmem>> -> memref<80x128xf32, #tpu.memory_space<vmem>>
      %dma_wait3A_54 = arith.constant 0 : i32
      %dma_wait3A_55 = tpu.memref_slice %arg2[%add3A_42, %dma_wait3A_54] : memref<320000x128xf32, #tpu.memory_space<hbm>> -> memref<80x128xf32, #tpu.memory_space<hbm>>
      tpu.wait_dma2 semaphore(%dma_wait3A_49 : memref<!tpu.dma_semaphore, #tpu.memory_space<semaphore_mem>>) src(%dma_wait3A_55 : memref<80x128xf32, #tpu.memory_space<hbm>>) dst(%dma_wait3A_53 : memref<80x128xf32, #tpu.memory_space<vmem>>)
      "tpu.region"() ({
        %run_scoped3A_57 = tpu.sem_alloc : memref<!tpu.dma_semaphore, #tpu.memory_space<semaphore_mem>>
        %dma_start3A_58 = arith.constant 0 : i32
        %dma_start3A_59 = arith.constant 0 : i32
        %dma_start3A_60 = tpu.memref_slice %arg7[%rem3A_35, %dma_start3A_58, %dma_start3A_59] : memref<2x80x128xf32, #tpu.memory_space<vmem>> -> memref<1x80x128xf32, #tpu.memory_space<vmem>>
        %dma_start3A_61 = tpu.memref_squeeze %dma_start3A_60 : memref<1x80x128xf32, #tpu.memory_space<vmem>> -> memref<80x128xf32, #tpu.memory_space<vmem>>
        %dma_start3A_62 = arith.constant 0 : i32
        %dma_start3A_63 = tpu.memref_slice %arg6[%rem3A_35, %dma_start3A_62] : memref<2x80xi32, #tpu.memory_space<vmem>> -> memref<1x80xi32, #tpu.memory_space<vmem>>
        %dma_start3A_64 = tpu.memref_squeeze %dma_start3A_63 : memref<1x80xi32, #tpu.memory_space<vmem>> -> memref<80xi32, #tpu.memory_space<vmem>>
        %dma_start3A_65 = arith.constant 0 : i32
        %dma_start3A_66 = arith.constant 0 : i32
        %dma_start3A_67 = tpu.memref_slice %arg8[%dma_start3A_65, %dma_start3A_66] : memref<10240x128xf32, #tpu.memory_space<vmem_shared>> -> memref<10240x128xf32, #tpu.memory_space<vmem_shared>>
        tpu.enqueue_indirect_dma source(%dma_start3A_61 : memref<80x128xf32, #tpu.memory_space<vmem>>) target(%dma_start3A_67 : memref<10240x128xf32, #tpu.memory_space<vmem_shared>>) offsets(%dma_start3A_64 : memref<80xi32, #tpu.memory_space<vmem>>) semaphore(%run_scoped3A_57 : memref<!tpu.dma_semaphore, #tpu.memory_space<semaphore_mem>>) {add = true}
        %dma_wait3A_68 = arith.constant 0 : i32
        %dma_wait3A_69 = arith.constant 0 : i32
        %dma_wait3A_70 = tpu.memref_slice %arg7[%rem3A_35, %dma_wait3A_68, %dma_wait3A_69] : memref<2x80x128xf32, #tpu.memory_space<vmem>> -> memref<1x80x128xf32, #tpu.memory_space<vmem>>
        %dma_wait3A_71 = tpu.memref_squeeze %dma_wait3A_70 : memref<1x80x128xf32, #tpu.memory_space<vmem>> -> memref<80x128xf32, #tpu.memory_space<vmem>>
        %dma_wait3A_72 = arith.constant 0 : i32
        %dma_wait3A_73 = tpu.memref_slice %arg6[%rem3A_35, %dma_wait3A_72] : memref<2x80xi32, #tpu.memory_space<vmem>> -> memref<1x80xi32, #tpu.memory_space<vmem>>
        %dma_wait3A_74 = tpu.memref_squeeze %dma_wait3A_73 : memref<1x80xi32, #tpu.memory_space<vmem>> -> memref<80xi32, #tpu.memory_space<vmem>>
        %dma_wait3A_75 = arith.constant 0 : i32
        %dma_wait3A_76 = arith.constant 0 : i32
        %dma_wait3A_77 = tpu.memref_slice %arg8[%dma_wait3A_75, %dma_wait3A_76] : memref<10240x128xf32, #tpu.memory_space<vmem_shared>> -> memref<10240x128xf32, #tpu.memory_space<vmem_shared>>
        tpu.wait_indirect_dma semaphore(%run_scoped3A_57 : memref<!tpu.dma_semaphore, #tpu.memory_space<semaphore_mem>>) src(%dma_wait3A_71 : memref<80x128xf32, #tpu.memory_space<vmem>>) dst(%dma_wait3A_77 : memref<10240x128xf32, #tpu.memory_space<vmem_shared>>)
        tpu.yield
      }) : () -> ()
      %scan3A_56 = arith.constant 0 : i32
      scf.yield %scan3A_56 : i32
    }
    %scan3A_27 = arith.constant 125 : i32
    %barrier3A_28 = arith.constant 0 : index
    tpu.barrier barrier_id(%barrier3A_28)
    %mul3A_29 = arith.constant 640 : i32
    %mul3A_30 = arith.muli %arg1, %mul3A_29 : i32
    %mul3A_31 = arith.constant 640 : i32
    %mul3A_32 = arith.muli %arg1, %mul3A_31 : i32
    "tpu.region"() ({
      %run_scoped3A_33 = tpu.sem_alloc : memref<!tpu.dma_semaphore, #tpu.memory_space<semaphore_mem>>
      %dma_start3A_34 = arith.constant 0 : i32
      %dma_start3A_35 = tpu.memref_slice %arg5[%arg0, %mul3A_32, %dma_start3A_34] : memref<2x10240x128xf32, #tpu.memory_space<hbm>> -> memref<1x640x128xf32, #tpu.memory_space<hbm>>
      %dma_start3A_36 = tpu.memref_squeeze %dma_start3A_35 : memref<1x640x128xf32, #tpu.memory_space<hbm>> -> memref<640x128xf32, #tpu.memory_space<hbm>>
      %dma_start3A_37 = arith.constant 0 : i32
      %dma_start3A_38 = tpu.memref_slice %arg8[%mul3A_30, %dma_start3A_37] : memref<10240x128xf32, #tpu.memory_space<vmem_shared>> -> memref<640x128xf32, #tpu.memory_space<vmem_shared>>
      tpu.enqueue_dma source(%dma_start3A_38 : memref<640x128xf32, #tpu.memory_space<vmem_shared>>) target(%dma_start3A_36 : memref<640x128xf32, #tpu.memory_space<hbm>>) target_semaphore(%run_scoped3A_33 : memref<!tpu.dma_semaphore, #tpu.memory_space<semaphore_mem>>)
      %dma_wait3A = arith.constant 0 : i32
      %dma_wait3A_39 = tpu.memref_slice %arg5[%arg0, %mul3A_32, %dma_wait3A] : memref<2x10240x128xf32, #tpu.memory_space<hbm>> -> memref<1x640x128xf32, #tpu.memory_space<hbm>>
      %dma_wait3A_40 = tpu.memref_squeeze %dma_wait3A_39 : memref<1x640x128xf32, #tpu.memory_space<hbm>> -> memref<640x128xf32, #tpu.memory_space<hbm>>
      %dma_wait3A_41 = arith.constant 0 : i32
      %dma_wait3A_42 = tpu.memref_slice %arg8[%mul3A_30, %dma_wait3A_41] : memref<10240x128xf32, #tpu.memory_space<vmem_shared>> -> memref<640x128xf32, #tpu.memory_space<vmem_shared>>
      tpu.wait_dma2 semaphore(%run_scoped3A_33 : memref<!tpu.dma_semaphore, #tpu.memory_space<semaphore_mem>>) src(%dma_wait3A_42 : memref<640x128xf32, #tpu.memory_space<vmem_shared>>) dst(%dma_wait3A_40 : memref<640x128xf32, #tpu.memory_space<hbm>>)
      tpu.yield
    }) : () -> ()
    return
  }
}

#map = affine_map<(d0, d1) -> (0, 0)>
#map1 = affine_map<(d0, d1) -> (0)>
module attributes {stable_mosaic.version = 14 : i64} {
  func.func @_phase_b_body(%arg0: i32, %arg1: i32, %arg2: memref<10000x256xf32, #tpu.memory_space<hbm>>, %arg3: memref<10000x128xf32, #tpu.memory_space<hbm>>, %arg4: memref<320000xi32, #tpu.memory_space<hbm>>, %arg5: memref<320000xi32, #tpu.memory_space<hbm>>, %arg6: memref<320000x256xf32, #tpu.memory_space<hbm>>, %arg7: memref<320000x128xf32, #tpu.memory_space<hbm>>, %arg8: memref<2x80xi32, #tpu.memory_space<vmem>>, %arg9: memref<2x80xi32, #tpu.memory_space<vmem>>, %arg10: memref<2x80x256xf32, #tpu.memory_space<vmem>>, %arg11: memref<2x80x128xf32, #tpu.memory_space<vmem>>, %arg12: memref<2x!tpu.dma_semaphore, #tpu.memory_space<semaphore_mem>>, %arg13: memref<2x!tpu.dma_semaphore, #tpu.memory_space<semaphore_mem>>) attributes {dimension_semantics = [#tpu.dimension_semantics<core_parallel>, #tpu.dimension_semantics<subcore_parallel>], iteration_bounds = array<i64: 2, 16>, scalar_prefetch = 0 : i64, scratch_operands = 6 : i64, tpu.core_type = #tpu.core_type<sc_vector_subcore>, window_params = [{transform_indices = #map}, {transform_indices = #map}, {transform_indices = #map1}, {transform_indices = #map1}, {transform_indices = #map}, {transform_indices = #map}]} {
    %mul3A = arith.constant 2 : i32
    %mul3A_0 = arith.muli %arg1, %mul3A : i32
    %add3A = arith.addi %mul3A_0, %arg0 : i32
    %mul3A_1 = arith.constant 10000 : i32
    %mul3A_2 = arith.muli %add3A, %mul3A_1 : i32
    %add3A_3 = arith.constant 0 : i32
    %add3A_4 = arith.addi %mul3A_2, %add3A_3 : i32
    %run_scoped3A = arith.constant 0 : i32
    "tpu.region"() ({
      %run_scoped3A_41 = tpu.sem_alloc : memref<!tpu.dma_semaphore, #tpu.memory_space<semaphore_mem>>
      %dma_start3A_42 = arith.constant 0 : i32
      %dma_start3A_43 = tpu.memref_slice %arg8[%run_scoped3A, %dma_start3A_42] : memref<2x80xi32, #tpu.memory_space<vmem>> -> memref<1x80xi32, #tpu.memory_space<vmem>>
      %dma_start3A_44 = tpu.memref_squeeze %dma_start3A_43 : memref<1x80xi32, #tpu.memory_space<vmem>> -> memref<80xi32, #tpu.memory_space<vmem>>
      %dma_start3A_45 = tpu.memref_slice %arg4[%add3A_4] : memref<320000xi32, #tpu.memory_space<hbm>> -> memref<80xi32, #tpu.memory_space<hbm>>
      %dma_start3A_46 = arith.constant 0 : i32
      %dma_start3A_47 = tpu.memref_slice %arg8[%run_scoped3A, %dma_start3A_46] : memref<2x80xi32, #tpu.memory_space<vmem>> -> memref<1x80xi32, #tpu.memory_space<vmem>>
      %dma_start3A_48 = tpu.memref_squeeze %dma_start3A_47 : memref<1x80xi32, #tpu.memory_space<vmem>> -> memref<80xi32, #tpu.memory_space<vmem>>
      %dma_start3A_49 = tpu.memref_slice %arg4[%add3A_4] : memref<320000xi32, #tpu.memory_space<hbm>> -> memref<80xi32, #tpu.memory_space<hbm>>
      tpu.enqueue_dma source(%dma_start3A_49 : memref<80xi32, #tpu.memory_space<hbm>>) target(%dma_start3A_48 : memref<80xi32, #tpu.memory_space<vmem>>) target_semaphore(%run_scoped3A_41 : memref<!tpu.dma_semaphore, #tpu.memory_space<semaphore_mem>>)
      %dma_wait3A = arith.constant 0 : i32
      %dma_wait3A_50 = tpu.memref_slice %arg8[%run_scoped3A, %dma_wait3A] : memref<2x80xi32, #tpu.memory_space<vmem>> -> memref<1x80xi32, #tpu.memory_space<vmem>>
      %dma_wait3A_51 = tpu.memref_squeeze %dma_wait3A_50 : memref<1x80xi32, #tpu.memory_space<vmem>> -> memref<80xi32, #tpu.memory_space<vmem>>
      %dma_wait3A_52 = tpu.memref_slice %arg4[%add3A_4] : memref<320000xi32, #tpu.memory_space<hbm>> -> memref<80xi32, #tpu.memory_space<hbm>>
      %dma_wait3A_53 = arith.constant 0 : i32
      %dma_wait3A_54 = tpu.memref_slice %arg8[%run_scoped3A, %dma_wait3A_53] : memref<2x80xi32, #tpu.memory_space<vmem>> -> memref<1x80xi32, #tpu.memory_space<vmem>>
      %dma_wait3A_55 = tpu.memref_squeeze %dma_wait3A_54 : memref<1x80xi32, #tpu.memory_space<vmem>> -> memref<80xi32, #tpu.memory_space<vmem>>
      %dma_wait3A_56 = tpu.memref_slice %arg4[%add3A_4] : memref<320000xi32, #tpu.memory_space<hbm>> -> memref<80xi32, #tpu.memory_space<hbm>>
      tpu.wait_dma2 semaphore(%run_scoped3A_41 : memref<!tpu.dma_semaphore, #tpu.memory_space<semaphore_mem>>) src(%dma_wait3A_56 : memref<80xi32, #tpu.memory_space<hbm>>) dst(%dma_wait3A_55 : memref<80xi32, #tpu.memory_space<vmem>>)
      tpu.yield
    }) : () -> ()
    %run_scoped3A_5 = arith.constant 0 : i32
    "tpu.region"() ({
      %run_scoped3A_41 = tpu.sem_alloc : memref<!tpu.dma_semaphore, #tpu.memory_space<semaphore_mem>>
      %dma_start3A_42 = arith.constant 0 : i32
      %dma_start3A_43 = tpu.memref_slice %arg9[%run_scoped3A_5, %dma_start3A_42] : memref<2x80xi32, #tpu.memory_space<vmem>> -> memref<1x80xi32, #tpu.memory_space<vmem>>
      %dma_start3A_44 = tpu.memref_squeeze %dma_start3A_43 : memref<1x80xi32, #tpu.memory_space<vmem>> -> memref<80xi32, #tpu.memory_space<vmem>>
      %dma_start3A_45 = tpu.memref_slice %arg5[%add3A_4] : memref<320000xi32, #tpu.memory_space<hbm>> -> memref<80xi32, #tpu.memory_space<hbm>>
      %dma_start3A_46 = arith.constant 0 : i32
      %dma_start3A_47 = tpu.memref_slice %arg9[%run_scoped3A_5, %dma_start3A_46] : memref<2x80xi32, #tpu.memory_space<vmem>> -> memref<1x80xi32, #tpu.memory_space<vmem>>
      %dma_start3A_48 = tpu.memref_squeeze %dma_start3A_47 : memref<1x80xi32, #tpu.memory_space<vmem>> -> memref<80xi32, #tpu.memory_space<vmem>>
      %dma_start3A_49 = tpu.memref_slice %arg5[%add3A_4] : memref<320000xi32, #tpu.memory_space<hbm>> -> memref<80xi32, #tpu.memory_space<hbm>>
      tpu.enqueue_dma source(%dma_start3A_49 : memref<80xi32, #tpu.memory_space<hbm>>) target(%dma_start3A_48 : memref<80xi32, #tpu.memory_space<vmem>>) target_semaphore(%run_scoped3A_41 : memref<!tpu.dma_semaphore, #tpu.memory_space<semaphore_mem>>)
      %dma_wait3A = arith.constant 0 : i32
      %dma_wait3A_50 = tpu.memref_slice %arg9[%run_scoped3A_5, %dma_wait3A] : memref<2x80xi32, #tpu.memory_space<vmem>> -> memref<1x80xi32, #tpu.memory_space<vmem>>
      %dma_wait3A_51 = tpu.memref_squeeze %dma_wait3A_50 : memref<1x80xi32, #tpu.memory_space<vmem>> -> memref<80xi32, #tpu.memory_space<vmem>>
      %dma_wait3A_52 = tpu.memref_slice %arg5[%add3A_4] : memref<320000xi32, #tpu.memory_space<hbm>> -> memref<80xi32, #tpu.memory_space<hbm>>
      %dma_wait3A_53 = arith.constant 0 : i32
      %dma_wait3A_54 = tpu.memref_slice %arg9[%run_scoped3A_5, %dma_wait3A_53] : memref<2x80xi32, #tpu.memory_space<vmem>> -> memref<1x80xi32, #tpu.memory_space<vmem>>
      %dma_wait3A_55 = tpu.memref_squeeze %dma_wait3A_54 : memref<1x80xi32, #tpu.memory_space<vmem>> -> memref<80xi32, #tpu.memory_space<vmem>>
      %dma_wait3A_56 = tpu.memref_slice %arg5[%add3A_4] : memref<320000xi32, #tpu.memory_space<hbm>> -> memref<80xi32, #tpu.memory_space<hbm>>
      tpu.wait_dma2 semaphore(%run_scoped3A_41 : memref<!tpu.dma_semaphore, #tpu.memory_space<semaphore_mem>>) src(%dma_wait3A_56 : memref<80xi32, #tpu.memory_space<hbm>>) dst(%dma_wait3A_55 : memref<80xi32, #tpu.memory_space<vmem>>)
      tpu.yield
    }) : () -> ()
    %dma_start3A = arith.constant 0 : i32
    %dma_start3A_6 = arith.constant 0 : i32
    %dma_start3A_7 = arith.constant 0 : i32
    %dma_start3A_8 = arith.constant 0 : i32
    %dma_start3A_9 = arith.constant 0 : i32
    %dma_start3A_10 = tpu.memref_slice %arg10[%dma_start3A_6, %dma_start3A_8, %dma_start3A_9] : memref<2x80x256xf32, #tpu.memory_space<vmem>> -> memref<1x80x256xf32, #tpu.memory_space<vmem>>
    %dma_start3A_11 = tpu.memref_squeeze %dma_start3A_10 : memref<1x80x256xf32, #tpu.memory_space<vmem>> -> memref<80x256xf32, #tpu.memory_space<vmem>>
    %dma_start3A_12 = arith.constant 0 : i32
    %dma_start3A_13 = tpu.memref_slice %arg8[%dma_start3A, %dma_start3A_12] : memref<2x80xi32, #tpu.memory_space<vmem>> -> memref<1x80xi32, #tpu.memory_space<vmem>>
    %dma_start3A_14 = tpu.memref_squeeze %dma_start3A_13 : memref<1x80xi32, #tpu.memory_space<vmem>> -> memref<80xi32, #tpu.memory_space<vmem>>
    %dma_start3A_15 = arith.constant 0 : i32
    %dma_start3A_16 = arith.constant 0 : i32
    %dma_start3A_17 = tpu.memref_slice %arg2[%dma_start3A_15, %dma_start3A_16] : memref<10000x256xf32, #tpu.memory_space<hbm>> -> memref<10000x256xf32, #tpu.memory_space<hbm>>
    %dma_start3A_18 = tpu.memref_slice %arg12[%dma_start3A_7] : memref<2x!tpu.dma_semaphore, #tpu.memory_space<semaphore_mem>> -> memref<1x!tpu.dma_semaphore, #tpu.memory_space<semaphore_mem>>
    %dma_start3A_19 = tpu.memref_squeeze %dma_start3A_18 : memref<1x!tpu.dma_semaphore, #tpu.memory_space<semaphore_mem>> -> memref<!tpu.dma_semaphore, #tpu.memory_space<semaphore_mem>>
    tpu.enqueue_indirect_dma source(%dma_start3A_17 : memref<10000x256xf32, #tpu.memory_space<hbm>>) target(%dma_start3A_11 : memref<80x256xf32, #tpu.memory_space<vmem>>) offsets(%dma_start3A_14 : memref<80xi32, #tpu.memory_space<vmem>>) semaphore(%dma_start3A_19 : memref<!tpu.dma_semaphore, #tpu.memory_space<semaphore_mem>>)
    %dma_start3A_20 = arith.constant 0 : i32
    %dma_start3A_21 = arith.constant 0 : i32
    %dma_start3A_22 = arith.constant 0 : i32
    %dma_start3A_23 = arith.constant 0 : i32
    %dma_start3A_24 = arith.constant 0 : i32
    %dma_start3A_25 = tpu.memref_slice %arg11[%dma_start3A_21, %dma_start3A_23, %dma_start3A_24] : memref<2x80x128xf32, #tpu.memory_space<vmem>> -> memref<1x80x128xf32, #tpu.memory_space<vmem>>
    %dma_start3A_26 = tpu.memref_squeeze %dma_start3A_25 : memref<1x80x128xf32, #tpu.memory_space<vmem>> -> memref<80x128xf32, #tpu.memory_space<vmem>>
    %dma_start3A_27 = arith.constant 0 : i32
    %dma_start3A_28 = tpu.memref_slice %arg9[%dma_start3A_20, %dma_start3A_27] : memref<2x80xi32, #tpu.memory_space<vmem>> -> memref<1x80xi32, #tpu.memory_space<vmem>>
    %dma_start3A_29 = tpu.memref_squeeze %dma_start3A_28 : memref<1x80xi32, #tpu.memory_space<vmem>> -> memref<80xi32, #tpu.memory_space<vmem>>
    %dma_start3A_30 = arith.constant 0 : i32
    %dma_start3A_31 = arith.constant 0 : i32
    %dma_start3A_32 = tpu.memref_slice %arg3[%dma_start3A_30, %dma_start3A_31] : memref<10000x128xf32, #tpu.memory_space<hbm>> -> memref<10000x128xf32, #tpu.memory_space<hbm>>
    %dma_start3A_33 = tpu.memref_slice %arg13[%dma_start3A_22] : memref<2x!tpu.dma_semaphore, #tpu.memory_space<semaphore_mem>> -> memref<1x!tpu.dma_semaphore, #tpu.memory_space<semaphore_mem>>
    %dma_start3A_34 = tpu.memref_squeeze %dma_start3A_33 : memref<1x!tpu.dma_semaphore, #tpu.memory_space<semaphore_mem>> -> memref<!tpu.dma_semaphore, #tpu.memory_space<semaphore_mem>>
    tpu.enqueue_indirect_dma source(%dma_start3A_32 : memref<10000x128xf32, #tpu.memory_space<hbm>>) target(%dma_start3A_26 : memref<80x128xf32, #tpu.memory_space<vmem>>) offsets(%dma_start3A_29 : memref<80xi32, #tpu.memory_space<vmem>>) semaphore(%dma_start3A_34 : memref<!tpu.dma_semaphore, #tpu.memory_space<semaphore_mem>>)
    %scan3A = arith.constant 0 : i32
    %scan3A_35 = arith.constant 0 : i32
    %scan3A_36 = arith.constant 125 : i32
    %scan3A_37 = arith.addi %scan3A_35, %scan3A_36 : i32
    %scan3A_38 = arith.constant 1 : i32
    %scan3A_39 = scf.for %scan3A_41 = %scan3A_35 to %scan3A_37 step %scan3A_38 iter_args(%scan3A_42 = %scan3A) -> (i32)  : i32 {
      %rem3A = arith.constant 2 : i32
      %rem3A_43 = arith.remsi %scan3A_41, %rem3A : i32
      %add3A_44 = arith.constant 1 : i32
      %add3A_45 = arith.addi %scan3A_41, %add3A_44 : i32
      %lt3A = arith.constant 125 : i32
      %lt3A_46 = arith.cmpi slt, %add3A_45, %lt3A : i32
      %convert_element_type3A = arith.extui %lt3A_46 : i1 to i32
      %cond3A = arith.constant 0 : i32
      %cond3A_47 = arith.cmpi ne, %convert_element_type3A, %cond3A : i32
      scf.if %cond3A_47 {
        %add3A_75 = arith.constant 1 : i32
        %add3A_76 = arith.addi %scan3A_41, %add3A_75 : i32
        %sub3A = arith.constant 1 : i32
        %sub3A_77 = arith.subi %sub3A, %rem3A_43 : i32
        %mul3A_78 = arith.constant 80 : i32
        %mul3A_79 = arith.muli %add3A_76, %mul3A_78 : i32
        %add3A_80 = arith.addi %mul3A_2, %mul3A_79 : i32
        "tpu.region"() ({
          %run_scoped3A_105 = tpu.sem_alloc : memref<!tpu.dma_semaphore, #tpu.memory_space<semaphore_mem>>
          %dma_start3A_106 = arith.constant 0 : i32
          %dma_start3A_107 = tpu.memref_slice %arg8[%sub3A_77, %dma_start3A_106] : memref<2x80xi32, #tpu.memory_space<vmem>> -> memref<1x80xi32, #tpu.memory_space<vmem>>
          %dma_start3A_108 = tpu.memref_squeeze %dma_start3A_107 : memref<1x80xi32, #tpu.memory_space<vmem>> -> memref<80xi32, #tpu.memory_space<vmem>>
          %dma_start3A_109 = tpu.memref_slice %arg4[%add3A_80] : memref<320000xi32, #tpu.memory_space<hbm>> -> memref<80xi32, #tpu.memory_space<hbm>>
          %dma_start3A_110 = arith.constant 0 : i32
          %dma_start3A_111 = tpu.memref_slice %arg8[%sub3A_77, %dma_start3A_110] : memref<2x80xi32, #tpu.memory_space<vmem>> -> memref<1x80xi32, #tpu.memory_space<vmem>>
          %dma_start3A_112 = tpu.memref_squeeze %dma_start3A_111 : memref<1x80xi32, #tpu.memory_space<vmem>> -> memref<80xi32, #tpu.memory_space<vmem>>
          %dma_start3A_113 = tpu.memref_slice %arg4[%add3A_80] : memref<320000xi32, #tpu.memory_space<hbm>> -> memref<80xi32, #tpu.memory_space<hbm>>
          tpu.enqueue_dma source(%dma_start3A_113 : memref<80xi32, #tpu.memory_space<hbm>>) target(%dma_start3A_112 : memref<80xi32, #tpu.memory_space<vmem>>) target_semaphore(%run_scoped3A_105 : memref<!tpu.dma_semaphore, #tpu.memory_space<semaphore_mem>>)
          %dma_wait3A_114 = arith.constant 0 : i32
          %dma_wait3A_115 = tpu.memref_slice %arg8[%sub3A_77, %dma_wait3A_114] : memref<2x80xi32, #tpu.memory_space<vmem>> -> memref<1x80xi32, #tpu.memory_space<vmem>>
          %dma_wait3A_116 = tpu.memref_squeeze %dma_wait3A_115 : memref<1x80xi32, #tpu.memory_space<vmem>> -> memref<80xi32, #tpu.memory_space<vmem>>
          %dma_wait3A_117 = tpu.memref_slice %arg4[%add3A_80] : memref<320000xi32, #tpu.memory_space<hbm>> -> memref<80xi32, #tpu.memory_space<hbm>>
          %dma_wait3A_118 = arith.constant 0 : i32
          %dma_wait3A_119 = tpu.memref_slice %arg8[%sub3A_77, %dma_wait3A_118] : memref<2x80xi32, #tpu.memory_space<vmem>> -> memref<1x80xi32, #tpu.memory_space<vmem>>
          %dma_wait3A_120 = tpu.memref_squeeze %dma_wait3A_119 : memref<1x80xi32, #tpu.memory_space<vmem>> -> memref<80xi32, #tpu.memory_space<vmem>>
          %dma_wait3A_121 = tpu.memref_slice %arg4[%add3A_80] : memref<320000xi32, #tpu.memory_space<hbm>> -> memref<80xi32, #tpu.memory_space<hbm>>
          tpu.wait_dma2 semaphore(%run_scoped3A_105 : memref<!tpu.dma_semaphore, #tpu.memory_space<semaphore_mem>>) src(%dma_wait3A_121 : memref<80xi32, #tpu.memory_space<hbm>>) dst(%dma_wait3A_120 : memref<80xi32, #tpu.memory_space<vmem>>)
          tpu.yield
        }) : () -> ()
        "tpu.region"() ({
          %run_scoped3A_105 = tpu.sem_alloc : memref<!tpu.dma_semaphore, #tpu.memory_space<semaphore_mem>>
          %dma_start3A_106 = arith.constant 0 : i32
          %dma_start3A_107 = tpu.memref_slice %arg9[%sub3A_77, %dma_start3A_106] : memref<2x80xi32, #tpu.memory_space<vmem>> -> memref<1x80xi32, #tpu.memory_space<vmem>>
          %dma_start3A_108 = tpu.memref_squeeze %dma_start3A_107 : memref<1x80xi32, #tpu.memory_space<vmem>> -> memref<80xi32, #tpu.memory_space<vmem>>
          %dma_start3A_109 = tpu.memref_slice %arg5[%add3A_80] : memref<320000xi32, #tpu.memory_space<hbm>> -> memref<80xi32, #tpu.memory_space<hbm>>
          %dma_start3A_110 = arith.constant 0 : i32
          %dma_start3A_111 = tpu.memref_slice %arg9[%sub3A_77, %dma_start3A_110] : memref<2x80xi32, #tpu.memory_space<vmem>> -> memref<1x80xi32, #tpu.memory_space<vmem>>
          %dma_start3A_112 = tpu.memref_squeeze %dma_start3A_111 : memref<1x80xi32, #tpu.memory_space<vmem>> -> memref<80xi32, #tpu.memory_space<vmem>>
          %dma_start3A_113 = tpu.memref_slice %arg5[%add3A_80] : memref<320000xi32, #tpu.memory_space<hbm>> -> memref<80xi32, #tpu.memory_space<hbm>>
          tpu.enqueue_dma source(%dma_start3A_113 : memref<80xi32, #tpu.memory_space<hbm>>) target(%dma_start3A_112 : memref<80xi32, #tpu.memory_space<vmem>>) target_semaphore(%run_scoped3A_105 : memref<!tpu.dma_semaphore, #tpu.memory_space<semaphore_mem>>)
          %dma_wait3A_114 = arith.constant 0 : i32
          %dma_wait3A_115 = tpu.memref_slice %arg9[%sub3A_77, %dma_wait3A_114] : memref<2x80xi32, #tpu.memory_space<vmem>> -> memref<1x80xi32, #tpu.memory_space<vmem>>
          %dma_wait3A_116 = tpu.memref_squeeze %dma_wait3A_115 : memref<1x80xi32, #tpu.memory_space<vmem>> -> memref<80xi32, #tpu.memory_space<vmem>>
          %dma_wait3A_117 = tpu.memref_slice %arg5[%add3A_80] : memref<320000xi32, #tpu.memory_space<hbm>> -> memref<80xi32, #tpu.memory_space<hbm>>
          %dma_wait3A_118 = arith.constant 0 : i32
          %dma_wait3A_119 = tpu.memref_slice %arg9[%sub3A_77, %dma_wait3A_118] : memref<2x80xi32, #tpu.memory_space<vmem>> -> memref<1x80xi32, #tpu.memory_space<vmem>>
          %dma_wait3A_120 = tpu.memref_squeeze %dma_wait3A_119 : memref<1x80xi32, #tpu.memory_space<vmem>> -> memref<80xi32, #tpu.memory_space<vmem>>
          %dma_wait3A_121 = tpu.memref_slice %arg5[%add3A_80] : memref<320000xi32, #tpu.memory_space<hbm>> -> memref<80xi32, #tpu.memory_space<hbm>>
          tpu.wait_dma2 semaphore(%run_scoped3A_105 : memref<!tpu.dma_semaphore, #tpu.memory_space<semaphore_mem>>) src(%dma_wait3A_121 : memref<80xi32, #tpu.memory_space<hbm>>) dst(%dma_wait3A_120 : memref<80xi32, #tpu.memory_space<vmem>>)
          tpu.yield
        }) : () -> ()
        %dma_start3A_81 = arith.constant 0 : i32
        %dma_start3A_82 = arith.constant 0 : i32
        %dma_start3A_83 = tpu.memref_slice %arg10[%sub3A_77, %dma_start3A_81, %dma_start3A_82] : memref<2x80x256xf32, #tpu.memory_space<vmem>> -> memref<1x80x256xf32, #tpu.memory_space<vmem>>
        %dma_start3A_84 = tpu.memref_squeeze %dma_start3A_83 : memref<1x80x256xf32, #tpu.memory_space<vmem>> -> memref<80x256xf32, #tpu.memory_space<vmem>>
        %dma_start3A_85 = arith.constant 0 : i32
        %dma_start3A_86 = tpu.memref_slice %arg8[%sub3A_77, %dma_start3A_85] : memref<2x80xi32, #tpu.memory_space<vmem>> -> memref<1x80xi32, #tpu.memory_space<vmem>>
        %dma_start3A_87 = tpu.memref_squeeze %dma_start3A_86 : memref<1x80xi32, #tpu.memory_space<vmem>> -> memref<80xi32, #tpu.memory_space<vmem>>
        %dma_start3A_88 = arith.constant 0 : i32
        %dma_start3A_89 = arith.constant 0 : i32
        %dma_start3A_90 = tpu.memref_slice %arg2[%dma_start3A_88, %dma_start3A_89] : memref<10000x256xf32, #tpu.memory_space<hbm>> -> memref<10000x256xf32, #tpu.memory_space<hbm>>
        %dma_start3A_91 = tpu.memref_slice %arg12[%sub3A_77] : memref<2x!tpu.dma_semaphore, #tpu.memory_space<semaphore_mem>> -> memref<1x!tpu.dma_semaphore, #tpu.memory_space<semaphore_mem>>
        %dma_start3A_92 = tpu.memref_squeeze %dma_start3A_91 : memref<1x!tpu.dma_semaphore, #tpu.memory_space<semaphore_mem>> -> memref<!tpu.dma_semaphore, #tpu.memory_space<semaphore_mem>>
        tpu.enqueue_indirect_dma source(%dma_start3A_90 : memref<10000x256xf32, #tpu.memory_space<hbm>>) target(%dma_start3A_84 : memref<80x256xf32, #tpu.memory_space<vmem>>) offsets(%dma_start3A_87 : memref<80xi32, #tpu.memory_space<vmem>>) semaphore(%dma_start3A_92 : memref<!tpu.dma_semaphore, #tpu.memory_space<semaphore_mem>>)
        %dma_start3A_93 = arith.constant 0 : i32
        %dma_start3A_94 = arith.constant 0 : i32
        %dma_start3A_95 = tpu.memref_slice %arg11[%sub3A_77, %dma_start3A_93, %dma_start3A_94] : memref<2x80x128xf32, #tpu.memory_space<vmem>> -> memref<1x80x128xf32, #tpu.memory_space<vmem>>
        %dma_start3A_96 = tpu.memref_squeeze %dma_start3A_95 : memref<1x80x128xf32, #tpu.memory_space<vmem>> -> memref<80x128xf32, #tpu.memory_space<vmem>>
        %dma_start3A_97 = arith.constant 0 : i32
        %dma_start3A_98 = tpu.memref_slice %arg9[%sub3A_77, %dma_start3A_97] : memref<2x80xi32, #tpu.memory_space<vmem>> -> memref<1x80xi32, #tpu.memory_space<vmem>>
        %dma_start3A_99 = tpu.memref_squeeze %dma_start3A_98 : memref<1x80xi32, #tpu.memory_space<vmem>> -> memref<80xi32, #tpu.memory_space<vmem>>
        %dma_start3A_100 = arith.constant 0 : i32
        %dma_start3A_101 = arith.constant 0 : i32
        %dma_start3A_102 = tpu.memref_slice %arg3[%dma_start3A_100, %dma_start3A_101] : memref<10000x128xf32, #tpu.memory_space<hbm>> -> memref<10000x128xf32, #tpu.memory_space<hbm>>
        %dma_start3A_103 = tpu.memref_slice %arg13[%sub3A_77] : memref<2x!tpu.dma_semaphore, #tpu.memory_space<semaphore_mem>> -> memref<1x!tpu.dma_semaphore, #tpu.memory_space<semaphore_mem>>
        %dma_start3A_104 = tpu.memref_squeeze %dma_start3A_103 : memref<1x!tpu.dma_semaphore, #tpu.memory_space<semaphore_mem>> -> memref<!tpu.dma_semaphore, #tpu.memory_space<semaphore_mem>>
        tpu.enqueue_indirect_dma source(%dma_start3A_102 : memref<10000x128xf32, #tpu.memory_space<hbm>>) target(%dma_start3A_96 : memref<80x128xf32, #tpu.memory_space<vmem>>) offsets(%dma_start3A_99 : memref<80xi32, #tpu.memory_space<vmem>>) semaphore(%dma_start3A_104 : memref<!tpu.dma_semaphore, #tpu.memory_space<semaphore_mem>>)
      } else {
      }
      %dma_wait3A = arith.constant 0 : i32
      %dma_wait3A_48 = arith.constant 0 : i32
      %dma_wait3A_49 = tpu.memref_slice %arg10[%rem3A_43, %dma_wait3A, %dma_wait3A_48] : memref<2x80x256xf32, #tpu.memory_space<vmem>> -> memref<1x80x256xf32, #tpu.memory_space<vmem>>
      %dma_wait3A_50 = tpu.memref_squeeze %dma_wait3A_49 : memref<1x80x256xf32, #tpu.memory_space<vmem>> -> memref<80x256xf32, #tpu.memory_space<vmem>>
      %dma_wait3A_51 = arith.constant 0 : i32
      %dma_wait3A_52 = tpu.memref_slice %arg8[%rem3A_43, %dma_wait3A_51] : memref<2x80xi32, #tpu.memory_space<vmem>> -> memref<1x80xi32, #tpu.memory_space<vmem>>
      %dma_wait3A_53 = tpu.memref_squeeze %dma_wait3A_52 : memref<1x80xi32, #tpu.memory_space<vmem>> -> memref<80xi32, #tpu.memory_space<vmem>>
      %dma_wait3A_54 = arith.constant 0 : i32
      %dma_wait3A_55 = arith.constant 0 : i32
      %dma_wait3A_56 = tpu.memref_slice %arg2[%dma_wait3A_54, %dma_wait3A_55] : memref<10000x256xf32, #tpu.memory_space<hbm>> -> memref<10000x256xf32, #tpu.memory_space<hbm>>
      %dma_wait3A_57 = tpu.memref_slice %arg12[%rem3A_43] : memref<2x!tpu.dma_semaphore, #tpu.memory_space<semaphore_mem>> -> memref<1x!tpu.dma_semaphore, #tpu.memory_space<semaphore_mem>>
      %dma_wait3A_58 = tpu.memref_squeeze %dma_wait3A_57 : memref<1x!tpu.dma_semaphore, #tpu.memory_space<semaphore_mem>> -> memref<!tpu.dma_semaphore, #tpu.memory_space<semaphore_mem>>
      tpu.wait_indirect_dma semaphore(%dma_wait3A_58 : memref<!tpu.dma_semaphore, #tpu.memory_space<semaphore_mem>>) src(%dma_wait3A_56 : memref<10000x256xf32, #tpu.memory_space<hbm>>) dst(%dma_wait3A_50 : memref<80x256xf32, #tpu.memory_space<vmem>>)
      %dma_wait3A_59 = arith.constant 0 : i32
      %dma_wait3A_60 = arith.constant 0 : i32
      %dma_wait3A_61 = tpu.memref_slice %arg11[%rem3A_43, %dma_wait3A_59, %dma_wait3A_60] : memref<2x80x128xf32, #tpu.memory_space<vmem>> -> memref<1x80x128xf32, #tpu.memory_space<vmem>>
      %dma_wait3A_62 = tpu.memref_squeeze %dma_wait3A_61 : memref<1x80x128xf32, #tpu.memory_space<vmem>> -> memref<80x128xf32, #tpu.memory_space<vmem>>
      %dma_wait3A_63 = arith.constant 0 : i32
      %dma_wait3A_64 = tpu.memref_slice %arg9[%rem3A_43, %dma_wait3A_63] : memref<2x80xi32, #tpu.memory_space<vmem>> -> memref<1x80xi32, #tpu.memory_space<vmem>>
      %dma_wait3A_65 = tpu.memref_squeeze %dma_wait3A_64 : memref<1x80xi32, #tpu.memory_space<vmem>> -> memref<80xi32, #tpu.memory_space<vmem>>
      %dma_wait3A_66 = arith.constant 0 : i32
      %dma_wait3A_67 = arith.constant 0 : i32
      %dma_wait3A_68 = tpu.memref_slice %arg3[%dma_wait3A_66, %dma_wait3A_67] : memref<10000x128xf32, #tpu.memory_space<hbm>> -> memref<10000x128xf32, #tpu.memory_space<hbm>>
      %dma_wait3A_69 = tpu.memref_slice %arg13[%rem3A_43] : memref<2x!tpu.dma_semaphore, #tpu.memory_space<semaphore_mem>> -> memref<1x!tpu.dma_semaphore, #tpu.memory_space<semaphore_mem>>
      %dma_wait3A_70 = tpu.memref_squeeze %dma_wait3A_69 : memref<1x!tpu.dma_semaphore, #tpu.memory_space<semaphore_mem>> -> memref<!tpu.dma_semaphore, #tpu.memory_space<semaphore_mem>>
      tpu.wait_indirect_dma semaphore(%dma_wait3A_70 : memref<!tpu.dma_semaphore, #tpu.memory_space<semaphore_mem>>) src(%dma_wait3A_68 : memref<10000x128xf32, #tpu.memory_space<hbm>>) dst(%dma_wait3A_62 : memref<80x128xf32, #tpu.memory_space<vmem>>)
      %mul3A_71 = arith.constant 80 : i32
      %mul3A_72 = arith.muli %scan3A_41, %mul3A_71 : i32
      %add3A_73 = arith.addi %mul3A_2, %mul3A_72 : i32
      "tpu.region"() ({
        %run_scoped3A_75 = tpu.sem_alloc : memref<!tpu.dma_semaphore, #tpu.memory_space<semaphore_mem>>
        %dma_start3A_76 = arith.constant 0 : i32
        %dma_start3A_77 = arith.constant 0 : i32
        %dma_start3A_78 = tpu.memref_slice %arg10[%rem3A_43, %dma_start3A_76, %dma_start3A_77] : memref<2x80x256xf32, #tpu.memory_space<vmem>> -> memref<1x80x256xf32, #tpu.memory_space<vmem>>
        %dma_start3A_79 = tpu.memref_squeeze %dma_start3A_78 : memref<1x80x256xf32, #tpu.memory_space<vmem>> -> memref<80x256xf32, #tpu.memory_space<vmem>>
        %dma_start3A_80 = arith.constant 0 : i32
        %dma_start3A_81 = tpu.memref_slice %arg6[%add3A_73, %dma_start3A_80] : memref<320000x256xf32, #tpu.memory_space<hbm>> -> memref<80x256xf32, #tpu.memory_space<hbm>>
        %dma_start3A_82 = arith.constant 0 : i32
        %dma_start3A_83 = tpu.memref_slice %arg6[%add3A_73, %dma_start3A_82] : memref<320000x256xf32, #tpu.memory_space<hbm>> -> memref<80x256xf32, #tpu.memory_space<hbm>>
        %dma_start3A_84 = arith.constant 0 : i32
        %dma_start3A_85 = arith.constant 0 : i32
        %dma_start3A_86 = tpu.memref_slice %arg10[%rem3A_43, %dma_start3A_84, %dma_start3A_85] : memref<2x80x256xf32, #tpu.memory_space<vmem>> -> memref<1x80x256xf32, #tpu.memory_space<vmem>>
        %dma_start3A_87 = tpu.memref_squeeze %dma_start3A_86 : memref<1x80x256xf32, #tpu.memory_space<vmem>> -> memref<80x256xf32, #tpu.memory_space<vmem>>
        tpu.enqueue_dma source(%dma_start3A_87 : memref<80x256xf32, #tpu.memory_space<vmem>>) target(%dma_start3A_83 : memref<80x256xf32, #tpu.memory_space<hbm>>) target_semaphore(%run_scoped3A_75 : memref<!tpu.dma_semaphore, #tpu.memory_space<semaphore_mem>>)
        %dma_wait3A_88 = arith.constant 0 : i32
        %dma_wait3A_89 = arith.constant 0 : i32
        %dma_wait3A_90 = tpu.memref_slice %arg10[%rem3A_43, %dma_wait3A_88, %dma_wait3A_89] : memref<2x80x256xf32, #tpu.memory_space<vmem>> -> memref<1x80x256xf32, #tpu.memory_space<vmem>>
        %dma_wait3A_91 = tpu.memref_squeeze %dma_wait3A_90 : memref<1x80x256xf32, #tpu.memory_space<vmem>> -> memref<80x256xf32, #tpu.memory_space<vmem>>
        %dma_wait3A_92 = arith.constant 0 : i32
        %dma_wait3A_93 = tpu.memref_slice %arg6[%add3A_73, %dma_wait3A_92] : memref<320000x256xf32, #tpu.memory_space<hbm>> -> memref<80x256xf32, #tpu.memory_space<hbm>>
        %dma_wait3A_94 = arith.constant 0 : i32
        %dma_wait3A_95 = tpu.memref_slice %arg6[%add3A_73, %dma_wait3A_94] : memref<320000x256xf32, #tpu.memory_space<hbm>> -> memref<80x256xf32, #tpu.memory_space<hbm>>
        %dma_wait3A_96 = arith.constant 0 : i32
        %dma_wait3A_97 = arith.constant 0 : i32
        %dma_wait3A_98 = tpu.memref_slice %arg10[%rem3A_43, %dma_wait3A_96, %dma_wait3A_97] : memref<2x80x256xf32, #tpu.memory_space<vmem>> -> memref<1x80x256xf32, #tpu.memory_space<vmem>>
        %dma_wait3A_99 = tpu.memref_squeeze %dma_wait3A_98 : memref<1x80x256xf32, #tpu.memory_space<vmem>> -> memref<80x256xf32, #tpu.memory_space<vmem>>
        tpu.wait_dma2 semaphore(%run_scoped3A_75 : memref<!tpu.dma_semaphore, #tpu.memory_space<semaphore_mem>>) src(%dma_wait3A_99 : memref<80x256xf32, #tpu.memory_space<vmem>>) dst(%dma_wait3A_95 : memref<80x256xf32, #tpu.memory_space<hbm>>)
        tpu.yield
      }) : () -> ()
      "tpu.region"() ({
        %run_scoped3A_75 = tpu.sem_alloc : memref<!tpu.dma_semaphore, #tpu.memory_space<semaphore_mem>>
        %dma_start3A_76 = arith.constant 0 : i32
        %dma_start3A_77 = arith.constant 0 : i32
        %dma_start3A_78 = tpu.memref_slice %arg11[%rem3A_43, %dma_start3A_76, %dma_start3A_77] : memref<2x80x128xf32, #tpu.memory_space<vmem>> -> memref<1x80x128xf32, #tpu.memory_space<vmem>>
        %dma_start3A_79 = tpu.memref_squeeze %dma_start3A_78 : memref<1x80x128xf32, #tpu.memory_space<vmem>> -> memref<80x128xf32, #tpu.memory_space<vmem>>
        %dma_start3A_80 = arith.constant 0 : i32
        %dma_start3A_81 = tpu.memref_slice %arg7[%add3A_73, %dma_start3A_80] : memref<320000x128xf32, #tpu.memory_space<hbm>> -> memref<80x128xf32, #tpu.memory_space<hbm>>
        %dma_start3A_82 = arith.constant 0 : i32
        %dma_start3A_83 = tpu.memref_slice %arg7[%add3A_73, %dma_start3A_82] : memref<320000x128xf32, #tpu.memory_space<hbm>> -> memref<80x128xf32, #tpu.memory_space<hbm>>
        %dma_start3A_84 = arith.constant 0 : i32
        %dma_start3A_85 = arith.constant 0 : i32
        %dma_start3A_86 = tpu.memref_slice %arg11[%rem3A_43, %dma_start3A_84, %dma_start3A_85] : memref<2x80x128xf32, #tpu.memory_space<vmem>> -> memref<1x80x128xf32, #tpu.memory_space<vmem>>
        %dma_start3A_87 = tpu.memref_squeeze %dma_start3A_86 : memref<1x80x128xf32, #tpu.memory_space<vmem>> -> memref<80x128xf32, #tpu.memory_space<vmem>>
        tpu.enqueue_dma source(%dma_start3A_87 : memref<80x128xf32, #tpu.memory_space<vmem>>) target(%dma_start3A_83 : memref<80x128xf32, #tpu.memory_space<hbm>>) target_semaphore(%run_scoped3A_75 : memref<!tpu.dma_semaphore, #tpu.memory_space<semaphore_mem>>)
        %dma_wait3A_88 = arith.constant 0 : i32
        %dma_wait3A_89 = arith.constant 0 : i32
        %dma_wait3A_90 = tpu.memref_slice %arg11[%rem3A_43, %dma_wait3A_88, %dma_wait3A_89] : memref<2x80x128xf32, #tpu.memory_space<vmem>> -> memref<1x80x128xf32, #tpu.memory_space<vmem>>
        %dma_wait3A_91 = tpu.memref_squeeze %dma_wait3A_90 : memref<1x80x128xf32, #tpu.memory_space<vmem>> -> memref<80x128xf32, #tpu.memory_space<vmem>>
        %dma_wait3A_92 = arith.constant 0 : i32
        %dma_wait3A_93 = tpu.memref_slice %arg7[%add3A_73, %dma_wait3A_92] : memref<320000x128xf32, #tpu.memory_space<hbm>> -> memref<80x128xf32, #tpu.memory_space<hbm>>
        %dma_wait3A_94 = arith.constant 0 : i32
        %dma_wait3A_95 = tpu.memref_slice %arg7[%add3A_73, %dma_wait3A_94] : memref<320000x128xf32, #tpu.memory_space<hbm>> -> memref<80x128xf32, #tpu.memory_space<hbm>>
        %dma_wait3A_96 = arith.constant 0 : i32
        %dma_wait3A_97 = arith.constant 0 : i32
        %dma_wait3A_98 = tpu.memref_slice %arg11[%rem3A_43, %dma_wait3A_96, %dma_wait3A_97] : memref<2x80x128xf32, #tpu.memory_space<vmem>> -> memref<1x80x128xf32, #tpu.memory_space<vmem>>
        %dma_wait3A_99 = tpu.memref_squeeze %dma_wait3A_98 : memref<1x80x128xf32, #tpu.memory_space<vmem>> -> memref<80x128xf32, #tpu.memory_space<vmem>>
        tpu.wait_dma2 semaphore(%run_scoped3A_75 : memref<!tpu.dma_semaphore, #tpu.memory_space<semaphore_mem>>) src(%dma_wait3A_99 : memref<80x128xf32, #tpu.memory_space<vmem>>) dst(%dma_wait3A_95 : memref<80x128xf32, #tpu.memory_space<hbm>>)
        tpu.yield
      }) : () -> ()
      %scan3A_74 = arith.constant 0 : i32
      scf.yield %scan3A_74 : i32
    }
    %scan3A_40 = arith.constant 125 : i32
    return
  }
}

module attributes {stable_mosaic.version = 14 : i64} {
  func.func @_phase_a_body(%arg0: i32, %arg1: memref<2000x128xf32, #tpu.memory_space<vmem>>, %arg2: memref<128x128xf32, #tpu.memory_space<vmem>>, %arg3: memref<1x128xf32, #tpu.memory_space<vmem>>, %arg4: memref<1x128xf32, #tpu.memory_space<vmem>>, %arg5: memref<1x128xf32, #tpu.memory_space<vmem>>, %arg6: memref<128x128xf32, #tpu.memory_space<vmem>>, %arg7: memref<1x128xf32, #tpu.memory_space<vmem>>, %arg8: memref<2000x256xf32, #tpu.memory_space<vmem>>) attributes {dimension_semantics = [#tpu.dimension_semantics<arbitrary>], iteration_bounds = array<i64: 5>, scalar_prefetch = 0 : i64, scratch_operands = 0 : i64, tpu.core_type = #tpu.core_type<tc>, window_params = [{transform_indices = @transform_0, window_bounds = array<i64: 2000, 128>}, {pipeline_mode = #tpu.pipeline_mode<synchronous>, transform_indices = @transform_1, window_bounds = array<i64: 128, 128>}, {pipeline_mode = #tpu.pipeline_mode<synchronous>, transform_indices = @transform_2, window_bounds = array<i64: 1, 128>}, {pipeline_mode = #tpu.pipeline_mode<synchronous>, transform_indices = @transform_3, window_bounds = array<i64: 1, 128>}, {pipeline_mode = #tpu.pipeline_mode<synchronous>, transform_indices = @transform_4, window_bounds = array<i64: 1, 128>}, {pipeline_mode = #tpu.pipeline_mode<synchronous>, transform_indices = @transform_5, window_bounds = array<i64: 128, 128>}, {pipeline_mode = #tpu.pipeline_mode<synchronous>, transform_indices = @transform_6, window_bounds = array<i64: 1, 128>}, {transform_indices = @transform_7, window_bounds = array<i64: 2000, 256>}]} {
    %get3A = arith.constant 0 : index
    %get3A_0 = arith.constant 0 : index
    %get3A_1 = vector.load %arg1[%get3A, %get3A_0] : memref<2000x128xf32, #tpu.memory_space<vmem>>, vector<2000x128xf32>
    %get3A_2 = arith.constant 0 : index
    %get3A_3 = arith.constant 0 : index
    %get3A_4 = vector.load %arg2[%get3A_2, %get3A_3] : memref<128x128xf32, #tpu.memory_space<vmem>>, vector<128x128xf32>
    %dot_general3A = arith.constant dense<0.000000e+00> : vector<2000x128xf32>
    %dot_general3A_5 = tpu.matmul %get3A_1, %get3A_4, %dot_general3A {dimension_numbers = #tpu.dot_dimension_numbers<[1], [0], [0], [1], [0, 0, 1, 1], [], []>, transpose_lhs_hint = false} : vector<2000x128xf32>, vector<128x128xf32>, vector<2000x128xf32> -> vector<2000x128xf32>
    %get3A_6 = arith.constant 0 : index
    %get3A_7 = arith.constant 0 : index
    %get3A_8 = vector.load %arg3[%get3A_6, %get3A_7] : memref<1x128xf32, #tpu.memory_space<vmem>>, vector<1x128xf32>
    %add3A = vector.broadcast %get3A_8 : vector<1x128xf32> to vector<2000x128xf32>
    %add3A_9 = arith.addf %dot_general3A_5, %add3A : vector<2000x128xf32>
    %get3A_10 = arith.constant 0 : index
    %get3A_11 = arith.constant 0 : index
    %get3A_12 = vector.load %arg4[%get3A_10, %get3A_11] : memref<1x128xf32, #tpu.memory_space<vmem>>, vector<1x128xf32>
    %get3A_13 = arith.constant 0 : index
    %get3A_14 = arith.constant 0 : index
    %get3A_15 = vector.load %arg5[%get3A_13, %get3A_14] : memref<1x128xf32, #tpu.memory_space<vmem>>, vector<1x128xf32>
    %reduce_sum3A = arith.constant dense<0.000000e+00> : vector<2000xf32>
    %reduce_sum3A_16 = vector.multi_reduction <add>, %add3A_9, %reduce_sum3A [1] : vector<2000x128xf32> to vector<2000xf32>
    %broadcast_in_dim3A = vector.shape_cast %reduce_sum3A_16 : vector<2000xf32> to vector<2000x1xf32>
    %div3A = arith.constant 1.280000e+02 : f32
    %div3A_17 = vector.broadcast %div3A : f32 to vector<2000x1xf32>
    %div3A_18 = arith.divf %broadcast_in_dim3A, %div3A_17 : vector<2000x1xf32>
    %sub3A = vector.broadcast %div3A_18 : vector<2000x1xf32> to vector<2000x128xf32>
    %sub3A_19 = arith.subf %add3A_9, %sub3A : vector<2000x128xf32>
    %sub3A_20 = vector.broadcast %div3A_18 : vector<2000x1xf32> to vector<2000x128xf32>
    %sub3A_21 = arith.subf %add3A_9, %sub3A_20 : vector<2000x128xf32>
    %mul3A = arith.mulf %sub3A_19, %sub3A_21 : vector<2000x128xf32>
    %reduce_sum3A_22 = arith.constant dense<0.000000e+00> : vector<2000xf32>
    %reduce_sum3A_23 = vector.multi_reduction <add>, %mul3A, %reduce_sum3A_22 [1] : vector<2000x128xf32> to vector<2000xf32>
    %broadcast_in_dim3A_24 = vector.shape_cast %reduce_sum3A_23 : vector<2000xf32> to vector<2000x1xf32>
    %div3A_25 = arith.constant 1.280000e+02 : f32
    %div3A_26 = vector.broadcast %div3A_25 : f32 to vector<2000x1xf32>
    %div3A_27 = arith.divf %broadcast_in_dim3A_24, %div3A_26 : vector<2000x1xf32>
    %sub3A_28 = vector.broadcast %div3A_18 : vector<2000x1xf32> to vector<2000x128xf32>
    %sub3A_29 = arith.subf %add3A_9, %sub3A_28 : vector<2000x128xf32>
    %add3A_30 = arith.constant 9.99999974E-6 : f32
    %add3A_31 = vector.broadcast %add3A_30 : f32 to vector<2000x1xf32>
    %add3A_32 = arith.addf %div3A_27, %add3A_31 : vector<2000x1xf32>
    %rsqrt3A = math.rsqrt %add3A_32 : vector<2000x1xf32>
    %mul3A_33 = vector.broadcast %rsqrt3A : vector<2000x1xf32> to vector<2000x128xf32>
    %mul3A_34 = arith.mulf %sub3A_29, %mul3A_33 : vector<2000x128xf32>
    %mul3A_35 = vector.broadcast %get3A_12 : vector<1x128xf32> to vector<2000x128xf32>
    %mul3A_36 = arith.mulf %mul3A_34, %mul3A_35 : vector<2000x128xf32>
    %add3A_37 = vector.broadcast %get3A_15 : vector<1x128xf32> to vector<2000x128xf32>
    %add3A_38 = arith.addf %mul3A_36, %add3A_37 : vector<2000x128xf32>
    %max3A = arith.constant 0.000000e+00 : f32
    %max3A_39 = vector.broadcast %max3A : f32 to vector<2000x128xf32>
    %max3A_40 = arith.maximumf %add3A_38, %max3A_39 : vector<2000x128xf32>
    %get3A_41 = arith.constant 0 : index
    %get3A_42 = arith.constant 0 : index
    %get3A_43 = vector.load %arg6[%get3A_41, %get3A_42] : memref<128x128xf32, #tpu.memory_space<vmem>>, vector<128x128xf32>
    %dot_general3A_44 = arith.constant dense<0.000000e+00> : vector<2000x128xf32>
    %dot_general3A_45 = tpu.matmul %max3A_40, %get3A_43, %dot_general3A_44 {dimension_numbers = #tpu.dot_dimension_numbers<[1], [0], [0], [1], [0, 0, 1, 1], [], []>, transpose_lhs_hint = false} : vector<2000x128xf32>, vector<128x128xf32>, vector<2000x128xf32> -> vector<2000x128xf32>
    %get3A_46 = arith.constant 0 : index
    %get3A_47 = arith.constant 0 : index
    %get3A_48 = vector.load %arg7[%get3A_46, %get3A_47] : memref<1x128xf32, #tpu.memory_space<vmem>>, vector<1x128xf32>
    %add3A_49 = vector.broadcast %get3A_48 : vector<1x128xf32> to vector<2000x128xf32>
    %add3A_50 = arith.addf %dot_general3A_45, %add3A_49 : vector<2000x128xf32>
    %swap3A = arith.constant 0 : index
    %swap3A_51 = arith.constant 0 : index
    %swap3A_52 = vector.load %arg8[%swap3A, %swap3A_51] : memref<2000x256xf32, #tpu.memory_space<vmem>>, vector<2000x128xf32>
    tpu.vector_store %arg8[%swap3A, %swap3A_51], %get3A_1 {strides = array<i32>} : memref<2000x256xf32, #tpu.memory_space<vmem>>, vector<2000x128xf32>,
    %swap3A_53 = arith.constant 0 : index
    %swap3A_54 = arith.constant 128 : index
    %swap3A_55 = vector.load %arg8[%swap3A_53, %swap3A_54] : memref<2000x256xf32, #tpu.memory_space<vmem>>, vector<2000x128xf32>
    tpu.vector_store %arg8[%swap3A_53, %swap3A_54], %add3A_50 {strides = array<i32>} : memref<2000x256xf32, #tpu.memory_space<vmem>>, vector<2000x128xf32>,
    return
  }
  func.func @transform_0(%arg0: i32) -> (i32, i32) {
    %c0_i32 = arith.constant 0 : i32
    %c0_i32_0 = arith.constant 0 : i32
    return %arg0, %c0_i32 : i32, i32
  }
  func.func @transform_1(%arg0: i32) -> (i32, i32) {
    %c0_i32 = arith.constant 0 : i32
    %c0_i32_0 = arith.constant 0 : i32
    %c0_i32_1 = arith.constant 0 : i32
    return %c0_i32, %c0_i32_0 : i32, i32
  }
  func.func @transform_2(%arg0: i32) -> (i32, i32) {
    %c0_i32 = arith.constant 0 : i32
    %c0_i32_0 = arith.constant 0 : i32
    %c0_i32_1 = arith.constant 0 : i32
    return %c0_i32, %c0_i32_0 : i32, i32
  }
  func.func @transform_3(%arg0: i32) -> (i32, i32) {
    %c0_i32 = arith.constant 0 : i32
    %c0_i32_0 = arith.constant 0 : i32
    %c0_i32_1 = arith.constant 0 : i32
    return %c0_i32, %c0_i32_0 : i32, i32
  }
  func.func @transform_4(%arg0: i32) -> (i32, i32) {
    %c0_i32 = arith.constant 0 : i32
    %c0_i32_0 = arith.constant 0 : i32
    %c0_i32_1 = arith.constant 0 : i32
    return %c0_i32, %c0_i32_0 : i32, i32
  }
  func.func @transform_5(%arg0: i32) -> (i32, i32) {
    %c0_i32 = arith.constant 0 : i32
    %c0_i32_0 = arith.constant 0 : i32
    %c0_i32_1 = arith.constant 0 : i32
    return %c0_i32, %c0_i32_0 : i32, i32
  }
  func.func @transform_6(%arg0: i32) -> (i32, i32) {
    %c0_i32 = arith.constant 0 : i32
    %c0_i32_0 = arith.constant 0 : i32
    %c0_i32_1 = arith.constant 0 : i32
    return %c0_i32, %c0_i32_0 : i32, i32
  }
  func.func @transform_7(%arg0: i32) -> (i32, i32) {
    %c0_i32 = arith.constant 0 : i32
    %c0_i32_0 = arith.constant 0 : i32
    return %arg0, %c0_i32 : i32, i32
  }
}

module attributes {stable_mosaic.version = 14 : i64} {
  func.func @_phase_c_body(%arg0: i32, %arg1: memref<512x256xf32, #tpu.memory_space<vmem>>, %arg2: memref<512x128xf32, #tpu.memory_space<vmem>>, %arg3: memref<512x16xf32, #tpu.memory_space<vmem>>, %arg4: memref<512x16xf32, #tpu.memory_space<vmem>>, %arg5: memref<512x8xf32, #tpu.memory_space<vmem>>, %arg6: memref<288x128xf32, #tpu.memory_space<vmem>>, %arg7: memref<1x128xf32, #tpu.memory_space<vmem>>, %arg8: memref<1x128xf32, #tpu.memory_space<vmem>>, %arg9: memref<128x128xf32, #tpu.memory_space<vmem>>, %arg10: memref<288x128xf32, #tpu.memory_space<vmem>>, %arg11: memref<1x128xf32, #tpu.memory_space<vmem>>, %arg12: memref<1x128xf32, #tpu.memory_space<vmem>>, %arg13: memref<128x16xf32, #tpu.memory_space<vmem>>, %arg14: memref<1x128xf32, #tpu.memory_space<vmem>>, %arg15: memref<1x128xf32, #tpu.memory_space<vmem>>, %arg16: memref<1x128xf32, #tpu.memory_space<vmem>>, %arg17: memref<1x16xf32, #tpu.memory_space<vmem>>, %arg18: memref<1x16xf32, #tpu.memory_space<vmem>>, %arg19: memref<1x16xf32, #tpu.memory_space<vmem>>, %arg20: memref<128x16xf32, #tpu.memory_space<vmem>>, %arg21: memref<8x48xf32, #tpu.memory_space<vmem>>, %arg22: memref<512x128xf32, #tpu.memory_space<vmem>>) attributes {dimension_semantics = [#tpu.dimension_semantics<arbitrary>], iteration_bounds = array<i64: 625>, scalar_prefetch = 0 : i64, scratch_operands = 0 : i64, tpu.core_type = #tpu.core_type<tc>, window_params = [{transform_indices = @transform_0, window_bounds = array<i64: 512, 256>}, {transform_indices = @transform_1, window_bounds = array<i64: 512, 128>}, {transform_indices = @transform_2, window_bounds = array<i64: 512, 16>}, {transform_indices = @transform_3, window_bounds = array<i64: 512, 16>}, {transform_indices = @transform_4, window_bounds = array<i64: 512, 8>}, {pipeline_mode = #tpu.pipeline_mode<synchronous>, transform_indices = @transform_5, window_bounds = array<i64: 288, 128>}, {pipeline_mode = #tpu.pipeline_mode<synchronous>, transform_indices = @transform_6, window_bounds = array<i64: 1, 128>}, {pipeline_mode = #tpu.pipeline_mode<synchronous>, transform_indices = @transform_7, window_bounds = array<i64: 1, 128>}, {pipeline_mode = #tpu.pipeline_mode<synchronous>, transform_indices = @transform_8, window_bounds = array<i64: 128, 128>}, {pipeline_mode = #tpu.pipeline_mode<synchronous>, transform_indices = @transform_9, window_bounds = array<i64: 288, 128>}, {pipeline_mode = #tpu.pipeline_mode<synchronous>, transform_indices = @transform_10, window_bounds = array<i64: 1, 128>}, {pipeline_mode = #tpu.pipeline_mode<synchronous>, transform_indices = @transform_11, window_bounds = array<i64: 1, 128>}, {pipeline_mode = #tpu.pipeline_mode<synchronous>, transform_indices = @transform_12, window_bounds = array<i64: 128, 16>}, {pipeline_mode = #tpu.pipeline_mode<synchronous>, transform_indices = @transform_13, window_bounds = array<i64: 1, 128>}, {pipeline_mode = #tpu.pipeline_mode<synchronous>, transform_indices = @transform_14, window_bounds = array<i64: 1, 128>}, {pipeline_mode = #tpu.pipeline_mode<synchronous>, transform_indices = @transform_15, window_bounds = array<i64: 1, 128>}, {pipeline_mode = #tpu.pipeline_mode<synchronous>, transform_indices = @transform_16, window_bounds = array<i64: 1, 16>}, {pipeline_mode = #tpu.pipeline_mode<synchronous>, transform_indices = @transform_17, window_bounds = array<i64: 1, 16>}, {pipeline_mode = #tpu.pipeline_mode<synchronous>, transform_indices = @transform_18, window_bounds = array<i64: 1, 16>}, {pipeline_mode = #tpu.pipeline_mode<synchronous>, transform_indices = @transform_19, window_bounds = array<i64: 128, 16>}, {pipeline_mode = #tpu.pipeline_mode<synchronous>, transform_indices = @transform_20, window_bounds = array<i64: 8, 48>}, {transform_indices = @transform_21, window_bounds = array<i64: 512, 128>}]} {
    %get3A = arith.constant 0 : index
    %get3A_0 = arith.constant 0 : index
    %get3A_1 = vector.load %arg1[%get3A, %get3A_0] : memref<512x256xf32, #tpu.memory_space<vmem>>, vector<512x128xf32>
    %get3A_2 = arith.constant 0 : index
    %get3A_3 = arith.constant 128 : index
    %get3A_4 = vector.load %arg1[%get3A_2, %get3A_3] : memref<512x256xf32, #tpu.memory_space<vmem>>, vector<512x128xf32>
    %get3A_5 = arith.constant 0 : index
    %get3A_6 = arith.constant 0 : index
    %get3A_7 = vector.load %arg2[%get3A_5, %get3A_6] : memref<512x128xf32, #tpu.memory_space<vmem>>, vector<512x128xf32>
    %get3A_8 = arith.constant 0 : index
    %get3A_9 = arith.constant 0 : index
    %get3A_10 = vector.load %arg3[%get3A_8, %get3A_9] : memref<512x16xf32, #tpu.memory_space<vmem>>, vector<512x16xf32>
    %get3A_11 = arith.constant 0 : index
    %get3A_12 = arith.constant 0 : index
    %get3A_13 = vector.load %arg4[%get3A_11, %get3A_12] : memref<512x16xf32, #tpu.memory_space<vmem>>, vector<512x16xf32>
    %get3A_14 = arith.constant 0 : index
    %get3A_15 = arith.constant 0 : index
    %get3A_16 = vector.load %arg14[%get3A_14, %get3A_15] : memref<1x128xf32, #tpu.memory_space<vmem>>, vector<1x128xf32>
    %get3A_17 = arith.constant 0 : index
    %get3A_18 = arith.constant 0 : index
    %get3A_19 = vector.load %arg7[%get3A_17, %get3A_18] : memref<1x128xf32, #tpu.memory_space<vmem>>, vector<1x128xf32>
    %get3A_20 = arith.constant 0 : index
    %get3A_21 = arith.constant 0 : index
    %get3A_22 = vector.load %arg8[%get3A_20, %get3A_21] : memref<1x128xf32, #tpu.memory_space<vmem>>, vector<1x128xf32>
    %get3A_23 = arith.constant 0 : index
    %get3A_24 = arith.constant 0 : index
    %get3A_25 = vector.load %arg6[%get3A_23, %get3A_24] : memref<288x128xf32, #tpu.memory_space<vmem>>, vector<16x128xf32>
    %dot_general3A = arith.constant dense<0.000000e+00> : vector<512x128xf32>
    %dot_general3A_26 = tpu.matmul %get3A_10, %get3A_25, %dot_general3A {dimension_numbers = #tpu.dot_dimension_numbers<[1], [0], [0], [1], [0, 0, 1, 1], [], []>, transpose_lhs_hint = false} : vector<512x16xf32>, vector<16x128xf32>, vector<512x128xf32> -> vector<512x128xf32>
    %get3A_27 = arith.constant 16 : index
    %get3A_28 = arith.constant 0 : index
    %get3A_29 = vector.load %arg6[%get3A_27, %get3A_28] : memref<288x128xf32, #tpu.memory_space<vmem>>, vector<16x128xf32>
    %dot_general3A_30 = arith.constant dense<0.000000e+00> : vector<512x128xf32>
    %dot_general3A_31 = tpu.matmul %get3A_13, %get3A_29, %dot_general3A_30 {dimension_numbers = #tpu.dot_dimension_numbers<[1], [0], [0], [1], [0, 0, 1, 1], [], []>, transpose_lhs_hint = false} : vector<512x16xf32>, vector<16x128xf32>, vector<512x128xf32> -> vector<512x128xf32>
    %add3A = arith.addf %dot_general3A_26, %dot_general3A_31 : vector<512x128xf32>
    %get3A_32 = arith.constant 32 : index
    %get3A_33 = arith.constant 0 : index
    %get3A_34 = vector.load %arg6[%get3A_32, %get3A_33] : memref<288x128xf32, #tpu.memory_space<vmem>>, vector<128x128xf32>
    %dot_general3A_35 = arith.constant dense<0.000000e+00> : vector<512x128xf32>
    %dot_general3A_36 = tpu.matmul %get3A_1, %get3A_34, %dot_general3A_35 {dimension_numbers = #tpu.dot_dimension_numbers<[1], [0], [0], [1], [0, 0, 1, 1], [], []>, transpose_lhs_hint = false} : vector<512x128xf32>, vector<128x128xf32>, vector<512x128xf32> -> vector<512x128xf32>
    %add3A_37 = arith.addf %add3A, %dot_general3A_36 : vector<512x128xf32>
    %get3A_38 = arith.constant 160 : index
    %get3A_39 = arith.constant 0 : index
    %get3A_40 = vector.load %arg6[%get3A_38, %get3A_39] : memref<288x128xf32, #tpu.memory_space<vmem>>, vector<128x128xf32>
    %dot_general3A_41 = arith.constant dense<0.000000e+00> : vector<512x128xf32>
    %dot_general3A_42 = tpu.matmul %get3A_7, %get3A_40, %dot_general3A_41 {dimension_numbers = #tpu.dot_dimension_numbers<[1], [0], [0], [1], [0, 0, 1, 1], [], []>, transpose_lhs_hint = false} : vector<512x128xf32>, vector<128x128xf32>, vector<512x128xf32> -> vector<512x128xf32>
    %add3A_43 = arith.addf %add3A_37, %dot_general3A_42 : vector<512x128xf32>
    %add3A_44 = vector.broadcast %get3A_16 : vector<1x128xf32> to vector<512x128xf32>
    %add3A_45 = arith.addf %add3A_43, %add3A_44 : vector<512x128xf32>
    %reduce_sum3A = arith.constant dense<0.000000e+00> : vector<512xf32>
    %reduce_sum3A_46 = vector.multi_reduction <add>, %add3A_45, %reduce_sum3A [1] : vector<512x128xf32> to vector<512xf32>
    %broadcast_in_dim3A = vector.shape_cast %reduce_sum3A_46 : vector<512xf32> to vector<512x1xf32>
    %div3A = arith.constant 1.280000e+02 : f32
    %div3A_47 = vector.broadcast %div3A : f32 to vector<512x1xf32>
    %div3A_48 = arith.divf %broadcast_in_dim3A, %div3A_47 : vector<512x1xf32>
    %sub3A = vector.broadcast %div3A_48 : vector<512x1xf32> to vector<512x128xf32>
    %sub3A_49 = arith.subf %add3A_45, %sub3A : vector<512x128xf32>
    %sub3A_50 = vector.broadcast %div3A_48 : vector<512x1xf32> to vector<512x128xf32>
    %sub3A_51 = arith.subf %add3A_45, %sub3A_50 : vector<512x128xf32>
    %mul3A = arith.mulf %sub3A_49, %sub3A_51 : vector<512x128xf32>
    %reduce_sum3A_52 = arith.constant dense<0.000000e+00> : vector<512xf32>
    %reduce_sum3A_53 = vector.multi_reduction <add>, %mul3A, %reduce_sum3A_52 [1] : vector<512x128xf32> to vector<512xf32>
    %broadcast_in_dim3A_54 = vector.shape_cast %reduce_sum3A_53 : vector<512xf32> to vector<512x1xf32>
    %div3A_55 = arith.constant 1.280000e+02 : f32
    %div3A_56 = vector.broadcast %div3A_55 : f32 to vector<512x1xf32>
    %div3A_57 = arith.divf %broadcast_in_dim3A_54, %div3A_56 : vector<512x1xf32>
    %sub3A_58 = vector.broadcast %div3A_48 : vector<512x1xf32> to vector<512x128xf32>
    %sub3A_59 = arith.subf %add3A_45, %sub3A_58 : vector<512x128xf32>
    %add3A_60 = arith.constant 9.99999974E-6 : f32
    %add3A_61 = vector.broadcast %add3A_60 : f32 to vector<512x1xf32>
    %add3A_62 = arith.addf %div3A_57, %add3A_61 : vector<512x1xf32>
    %rsqrt3A = math.rsqrt %add3A_62 : vector<512x1xf32>
    %mul3A_63 = vector.broadcast %rsqrt3A : vector<512x1xf32> to vector<512x128xf32>
    %mul3A_64 = arith.mulf %sub3A_59, %mul3A_63 : vector<512x128xf32>
    %mul3A_65 = vector.broadcast %get3A_19 : vector<1x128xf32> to vector<512x128xf32>
    %mul3A_66 = arith.mulf %mul3A_64, %mul3A_65 : vector<512x128xf32>
    %add3A_67 = vector.broadcast %get3A_22 : vector<1x128xf32> to vector<512x128xf32>
    %add3A_68 = arith.addf %mul3A_66, %add3A_67 : vector<512x128xf32>
    %max3A = arith.constant 0.000000e+00 : f32
    %max3A_69 = vector.broadcast %max3A : f32 to vector<512x128xf32>
    %max3A_70 = arith.maximumf %add3A_68, %max3A_69 : vector<512x128xf32>
    %get3A_71 = arith.constant 0 : index
    %get3A_72 = arith.constant 0 : index
    %get3A_73 = vector.load %arg9[%get3A_71, %get3A_72] : memref<128x128xf32, #tpu.memory_space<vmem>>, vector<128x128xf32>
    %dot_general3A_74 = arith.constant dense<0.000000e+00> : vector<512x128xf32>
    %dot_general3A_75 = tpu.matmul %max3A_70, %get3A_73, %dot_general3A_74 {dimension_numbers = #tpu.dot_dimension_numbers<[1], [0], [0], [1], [0, 0, 1, 1], [], []>, transpose_lhs_hint = false} : vector<512x128xf32>, vector<128x128xf32>, vector<512x128xf32> -> vector<512x128xf32>
    %get3A_76 = arith.constant 0 : index
    %get3A_77 = arith.constant 0 : index
    %get3A_78 = vector.load %arg15[%get3A_76, %get3A_77] : memref<1x128xf32, #tpu.memory_space<vmem>>, vector<1x128xf32>
    %add3A_79 = vector.broadcast %get3A_78 : vector<1x128xf32> to vector<512x128xf32>
    %add3A_80 = arith.addf %dot_general3A_75, %add3A_79 : vector<512x128xf32>
    %mul3A_81 = arith.mulf %get3A_4, %add3A_80 : vector<512x128xf32>
    %get3A_82 = arith.constant 0 : index
    %get3A_83 = arith.constant 0 : index
    %get3A_84 = vector.load %arg20[%get3A_82, %get3A_83] : memref<128x16xf32, #tpu.memory_space<vmem>>, vector<128x16xf32>
    %dot_general3A_85 = arith.constant dense<0.000000e+00> : vector<512x16xf32>
    %dot_general3A_86 = tpu.matmul %mul3A_81, %get3A_84, %dot_general3A_85 {dimension_numbers = #tpu.dot_dimension_numbers<[1], [0], [0], [1], [0, 0, 1, 1], [], []>, transpose_lhs_hint = false} : vector<512x128xf32>, vector<128x16xf32>, vector<512x16xf32> -> vector<512x16xf32>
    %mul3A_87 = arith.constant 0.353553385 : f32
    %mul3A_88 = vector.broadcast %mul3A_87 : f32 to vector<512x16xf32>
    %mul3A_89 = arith.mulf %dot_general3A_86, %mul3A_88 : vector<512x16xf32>
    %exp3A = math.exp %mul3A_89 : vector<512x16xf32>
    %get3A_90 = arith.constant 0 : index
    %get3A_91 = arith.constant 0 : index
    %get3A_92 = vector.load %arg16[%get3A_90, %get3A_91] : memref<1x128xf32, #tpu.memory_space<vmem>>, vector<1x128xf32>
    %get3A_93 = arith.constant 0 : index
    %get3A_94 = arith.constant 0 : index
    %get3A_95 = vector.load %arg11[%get3A_93, %get3A_94] : memref<1x128xf32, #tpu.memory_space<vmem>>, vector<1x128xf32>
    %get3A_96 = arith.constant 0 : index
    %get3A_97 = arith.constant 0 : index
    %get3A_98 = vector.load %arg12[%get3A_96, %get3A_97] : memref<1x128xf32, #tpu.memory_space<vmem>>, vector<1x128xf32>
    %get3A_99 = arith.constant 0 : index
    %get3A_100 = arith.constant 0 : index
    %get3A_101 = vector.load %arg10[%get3A_99, %get3A_100] : memref<288x128xf32, #tpu.memory_space<vmem>>, vector<16x128xf32>
    %dot_general3A_102 = arith.constant dense<0.000000e+00> : vector<512x128xf32>
    %dot_general3A_103 = tpu.matmul %get3A_10, %get3A_101, %dot_general3A_102 {dimension_numbers = #tpu.dot_dimension_numbers<[1], [0], [0], [1], [0, 0, 1, 1], [], []>, transpose_lhs_hint = false} : vector<512x16xf32>, vector<16x128xf32>, vector<512x128xf32> -> vector<512x128xf32>
    %get3A_104 = arith.constant 16 : index
    %get3A_105 = arith.constant 0 : index
    %get3A_106 = vector.load %arg10[%get3A_104, %get3A_105] : memref<288x128xf32, #tpu.memory_space<vmem>>, vector<16x128xf32>
    %dot_general3A_107 = arith.constant dense<0.000000e+00> : vector<512x128xf32>
    %dot_general3A_108 = tpu.matmul %get3A_13, %get3A_106, %dot_general3A_107 {dimension_numbers = #tpu.dot_dimension_numbers<[1], [0], [0], [1], [0, 0, 1, 1], [], []>, transpose_lhs_hint = false} : vector<512x16xf32>, vector<16x128xf32>, vector<512x128xf32> -> vector<512x128xf32>
    %add3A_109 = arith.addf %dot_general3A_103, %dot_general3A_108 : vector<512x128xf32>
    %get3A_110 = arith.constant 32 : index
    %get3A_111 = arith.constant 0 : index
    %get3A_112 = vector.load %arg10[%get3A_110, %get3A_111] : memref<288x128xf32, #tpu.memory_space<vmem>>, vector<128x128xf32>
    %dot_general3A_113 = arith.constant dense<0.000000e+00> : vector<512x128xf32>
    %dot_general3A_114 = tpu.matmul %get3A_1, %get3A_112, %dot_general3A_113 {dimension_numbers = #tpu.dot_dimension_numbers<[1], [0], [0], [1], [0, 0, 1, 1], [], []>, transpose_lhs_hint = false} : vector<512x128xf32>, vector<128x128xf32>, vector<512x128xf32> -> vector<512x128xf32>
    %add3A_115 = arith.addf %add3A_109, %dot_general3A_114 : vector<512x128xf32>
    %get3A_116 = arith.constant 160 : index
    %get3A_117 = arith.constant 0 : index
    %get3A_118 = vector.load %arg10[%get3A_116, %get3A_117] : memref<288x128xf32, #tpu.memory_space<vmem>>, vector<128x128xf32>
    %dot_general3A_119 = arith.constant dense<0.000000e+00> : vector<512x128xf32>
    %dot_general3A_120 = tpu.matmul %get3A_7, %get3A_118, %dot_general3A_119 {dimension_numbers = #tpu.dot_dimension_numbers<[1], [0], [0], [1], [0, 0, 1, 1], [], []>, transpose_lhs_hint = false} : vector<512x128xf32>, vector<128x128xf32>, vector<512x128xf32> -> vector<512x128xf32>
    %add3A_121 = arith.addf %add3A_115, %dot_general3A_120 : vector<512x128xf32>
    %add3A_122 = vector.broadcast %get3A_92 : vector<1x128xf32> to vector<512x128xf32>
    %add3A_123 = arith.addf %add3A_121, %add3A_122 : vector<512x128xf32>
    %reduce_sum3A_124 = arith.constant dense<0.000000e+00> : vector<512xf32>
    %reduce_sum3A_125 = vector.multi_reduction <add>, %add3A_123, %reduce_sum3A_124 [1] : vector<512x128xf32> to vector<512xf32>
    %broadcast_in_dim3A_126 = vector.shape_cast %reduce_sum3A_125 : vector<512xf32> to vector<512x1xf32>
    %div3A_127 = arith.constant 1.280000e+02 : f32
    %div3A_128 = vector.broadcast %div3A_127 : f32 to vector<512x1xf32>
    %div3A_129 = arith.divf %broadcast_in_dim3A_126, %div3A_128 : vector<512x1xf32>
    %sub3A_130 = vector.broadcast %div3A_129 : vector<512x1xf32> to vector<512x128xf32>
    %sub3A_131 = arith.subf %add3A_123, %sub3A_130 : vector<512x128xf32>
    %sub3A_132 = vector.broadcast %div3A_129 : vector<512x1xf32> to vector<512x128xf32>
    %sub3A_133 = arith.subf %add3A_123, %sub3A_132 : vector<512x128xf32>
    %mul3A_134 = arith.mulf %sub3A_131, %sub3A_133 : vector<512x128xf32>
    %reduce_sum3A_135 = arith.constant dense<0.000000e+00> : vector<512xf32>
    %reduce_sum3A_136 = vector.multi_reduction <add>, %mul3A_134, %reduce_sum3A_135 [1] : vector<512x128xf32> to vector<512xf32>
    %broadcast_in_dim3A_137 = vector.shape_cast %reduce_sum3A_136 : vector<512xf32> to vector<512x1xf32>
    %div3A_138 = arith.constant 1.280000e+02 : f32
    %div3A_139 = vector.broadcast %div3A_138 : f32 to vector<512x1xf32>
    %div3A_140 = arith.divf %broadcast_in_dim3A_137, %div3A_139 : vector<512x1xf32>
    %sub3A_141 = vector.broadcast %div3A_129 : vector<512x1xf32> to vector<512x128xf32>
    %sub3A_142 = arith.subf %add3A_123, %sub3A_141 : vector<512x128xf32>
    %add3A_143 = arith.constant 9.99999974E-6 : f32
    %add3A_144 = vector.broadcast %add3A_143 : f32 to vector<512x1xf32>
    %add3A_145 = arith.addf %div3A_140, %add3A_144 : vector<512x1xf32>
    %rsqrt3A_146 = math.rsqrt %add3A_145 : vector<512x1xf32>
    %mul3A_147 = vector.broadcast %rsqrt3A_146 : vector<512x1xf32> to vector<512x128xf32>
    %mul3A_148 = arith.mulf %sub3A_142, %mul3A_147 : vector<512x128xf32>
    %mul3A_149 = vector.broadcast %get3A_95 : vector<1x128xf32> to vector<512x128xf32>
    %mul3A_150 = arith.mulf %mul3A_148, %mul3A_149 : vector<512x128xf32>
    %add3A_151 = vector.broadcast %get3A_98 : vector<1x128xf32> to vector<512x128xf32>
    %add3A_152 = arith.addf %mul3A_150, %add3A_151 : vector<512x128xf32>
    %max3A_153 = arith.constant 0.000000e+00 : f32
    %max3A_154 = vector.broadcast %max3A_153 : f32 to vector<512x128xf32>
    %max3A_155 = arith.maximumf %add3A_152, %max3A_154 : vector<512x128xf32>
    %get3A_156 = arith.constant 0 : index
    %get3A_157 = arith.constant 0 : index
    %get3A_158 = vector.load %arg13[%get3A_156, %get3A_157] : memref<128x16xf32, #tpu.memory_space<vmem>>, vector<128x16xf32>
    %dot_general3A_159 = arith.constant dense<0.000000e+00> : vector<512x16xf32>
    %dot_general3A_160 = tpu.matmul %max3A_155, %get3A_158, %dot_general3A_159 {dimension_numbers = #tpu.dot_dimension_numbers<[1], [0], [0], [1], [0, 0, 1, 1], [], []>, transpose_lhs_hint = false} : vector<512x128xf32>, vector<128x16xf32>, vector<512x16xf32> -> vector<512x16xf32>
    %get3A_161 = arith.constant 0 : index
    %get3A_162 = arith.constant 0 : index
    %get3A_163 = vector.load %arg17[%get3A_161, %get3A_162] : memref<1x16xf32, #tpu.memory_space<vmem>>, vector<1x16xf32>
    %add3A_164 = vector.broadcast %get3A_163 : vector<1x16xf32> to vector<512x16xf32>
    %add3A_165 = arith.addf %dot_general3A_160, %add3A_164 : vector<512x16xf32>
    %get3A_166 = arith.constant 0 : index
    %get3A_167 = arith.constant 0 : index
    %get3A_168 = vector.load %arg18[%get3A_166, %get3A_167] : memref<1x16xf32, #tpu.memory_space<vmem>>, vector<1x16xf32>
    %mul3A_169 = vector.broadcast %get3A_168 : vector<1x16xf32> to vector<512x16xf32>
    %mul3A_170 = arith.mulf %get3A_13, %mul3A_169 : vector<512x16xf32>
    %reduce_sum3A_171 = arith.constant dense<0.000000e+00> : vector<512xf32>
    %reduce_sum3A_172 = vector.multi_reduction <add>, %mul3A_170, %reduce_sum3A_171 [1] : vector<512x16xf32> to vector<512xf32>
    %broadcast_in_dim3A_173 = vector.shape_cast %reduce_sum3A_172 : vector<512xf32> to vector<512x1xf32>
    %get3A_174 = arith.constant 0 : index
    %get3A_175 = arith.constant 0 : index
    %get3A_176 = vector.load %arg19[%get3A_174, %get3A_175] : memref<1x16xf32, #tpu.memory_space<vmem>>, vector<1x1xf32>
    %add3A_177 = vector.broadcast %get3A_176 : vector<1x1xf32> to vector<512x1xf32>
    %add3A_178 = arith.addf %broadcast_in_dim3A_173, %add3A_177 : vector<512x1xf32>
    %logistic3A = arith.negf %add3A_178 : vector<512x1xf32>
    %logistic3A_179 = math.exp %logistic3A : vector<512x1xf32>
    %logistic3A_180 = arith.constant 1.000000e+00 : f32
    %logistic3A_181 = vector.broadcast %logistic3A_180 : f32 to vector<512x1xf32>
    %logistic3A_182 = arith.addf %logistic3A_181, %logistic3A_179 : vector<512x1xf32>
    %logistic3A_183 = arith.divf %logistic3A_181, %logistic3A_182 : vector<512x1xf32>
    %mul3A_184 = vector.broadcast %logistic3A_183 : vector<512x1xf32> to vector<512x16xf32>
    %mul3A_185 = arith.mulf %add3A_165, %mul3A_184 : vector<512x16xf32>
    %mul3A_186 = arith.mulf %exp3A, %mul3A_185 : vector<512x16xf32>
    %get3A_187 = arith.constant 0 : index
    %get3A_188 = arith.constant 0 : index
    %get3A_189 = vector.load %arg5[%get3A_187, %get3A_188] : memref<512x8xf32, #tpu.memory_space<vmem>>, vector<512x8xf32>
    %get3A_190 = arith.constant 0 : index
    %get3A_191 = arith.constant 0 : index
    %get3A_192 = vector.load %arg21[%get3A_190, %get3A_191] : memref<8x48xf32, #tpu.memory_space<vmem>>, vector<8x48xf32>
    %dot_general3A_193 = arith.constant dense<0.000000e+00> : vector<512x48xf32>
    %dot_general3A_194 = tpu.matmul %get3A_189, %get3A_192, %dot_general3A_193 {dimension_numbers = #tpu.dot_dimension_numbers<[1], [0], [0], [1], [0, 0, 1, 1], [], []>, transpose_lhs_hint = false} : vector<512x8xf32>, vector<8x48xf32>, vector<512x48xf32> -> vector<512x48xf32>
    %concatenate3A = tpu.concatenate %mul3A_186, %mul3A_186, %mul3A_186 in 1 : vector<512x16xf32>, vector<512x16xf32>, vector<512x16xf32> -> vector<512x48xf32>
    %mul3A_195 = arith.mulf %concatenate3A, %dot_general3A_194 : vector<512x48xf32>
    %broadcast_in_dim3A_196 = arith.constant 0.000000e+00 : f32
    %broadcast_in_dim3A_197 = vector.broadcast %broadcast_in_dim3A_196 : f32 to vector<512x16xf32>
    %mul3A_198 = arith.constant 0.000000e+00 : f32
    %mul3A_199 = vector.broadcast %mul3A_198 : f32 to vector<512x48xf32>
    %mul3A_200 = arith.mulf %mul3A_195, %mul3A_199 : vector<512x48xf32>
    %concatenate3A_201 = tpu.concatenate %exp3A, %mul3A_195, %broadcast_in_dim3A_197, %mul3A_200 in 1 : vector<512x16xf32>, vector<512x48xf32>, vector<512x16xf32>, vector<512x48xf32> -> vector<512x128xf32>
    %swap3A = arith.constant 0 : index
    %swap3A_202 = arith.constant 0 : index
    %swap3A_203 = vector.load %arg22[%swap3A, %swap3A_202] : memref<512x128xf32, #tpu.memory_space<vmem>>, vector<512x128xf32>
    tpu.vector_store %arg22[%swap3A, %swap3A_202], %concatenate3A_201 {strides = array<i32>} : memref<512x128xf32, #tpu.memory_space<vmem>>, vector<512x128xf32>,
    return
  }
  func.func @transform_0(%arg0: i32) -> (i32, i32) {
    %c0_i32 = arith.constant 0 : i32
    %c0_i32_0 = arith.constant 0 : i32
    return %arg0, %c0_i32 : i32, i32
  }
  func.func @transform_1(%arg0: i32) -> (i32, i32) {
    %c0_i32 = arith.constant 0 : i32
    %c0_i32_0 = arith.constant 0 : i32
    return %arg0, %c0_i32 : i32, i32
  }
  func.func @transform_2(%arg0: i32) -> (i32, i32) {
    %c0_i32 = arith.constant 0 : i32
    %c0_i32_0 = arith.constant 0 : i32
    return %arg0, %c0_i32 : i32, i32
  }
  func.func @transform_3(%arg0: i32) -> (i32, i32) {
    %c0_i32 = arith.constant 0 : i32
    %c0_i32_0 = arith.constant 0 : i32
    return %arg0, %c0_i32 : i32, i32
  }
  func.func @transform_4(%arg0: i32) -> (i32, i32) {
    %c0_i32 = arith.constant 0 : i32
    %c0_i32_0 = arith.constant 0 : i32
    return %arg0, %c0_i32 : i32, i32
  }
  func.func @transform_5(%arg0: i32) -> (i32, i32) {
    %c0_i32 = arith.constant 0 : i32
    %c0_i32_0 = arith.constant 0 : i32
    %c0_i32_1 = arith.constant 0 : i32
    return %c0_i32, %c0_i32_0 : i32, i32
  }
  func.func @transform_6(%arg0: i32) -> (i32, i32) {
    %c0_i32 = arith.constant 0 : i32
    %c0_i32_0 = arith.constant 0 : i32
    %c0_i32_1 = arith.constant 0 : i32
    return %c0_i32, %c0_i32_0 : i32, i32
  }
  func.func @transform_7(%arg0: i32) -> (i32, i32) {
    %c0_i32 = arith.constant 0 : i32
    %c0_i32_0 = arith.constant 0 : i32
    %c0_i32_1 = arith.constant 0 : i32
    return %c0_i32, %c0_i32_0 : i32, i32
  }
  func.func @transform_8(%arg0: i32) -> (i32, i32) {
    %c0_i32 = arith.constant 0 : i32
    %c0_i32_0 = arith.constant 0 : i32
    %c0_i32_1 = arith.constant 0 : i32
    return %c0_i32, %c0_i32_0 : i32, i32
  }
  func.func @transform_9(%arg0: i32) -> (i32, i32) {
    %c0_i32 = arith.constant 0 : i32
    %c0_i32_0 = arith.constant 0 : i32
    %c0_i32_1 = arith.constant 0 : i32
    return %c0_i32, %c0_i32_0 : i32, i32
  }
  func.func @transform_10(%arg0: i32) -> (i32, i32) {
    %c0_i32 = arith.constant 0 : i32
    %c0_i32_0 = arith.constant 0 : i32
    %c0_i32_1 = arith.constant 0 : i32
    return %c0_i32, %c0_i32_0 : i32, i32
  }
  func.func @transform_11(%arg0: i32) -> (i32, i32) {
    %c0_i32 = arith.constant 0 : i32
    %c0_i32_0 = arith.constant 0 : i32
    %c0_i32_1 = arith.constant 0 : i32
    return %c0_i32, %c0_i32_0 : i32, i32
  }
  func.func @transform_12(%arg0: i32) -> (i32, i32) {
    %c0_i32 = arith.constant 0 : i32
    %c0_i32_0 = arith.constant 0 : i32
    %c0_i32_1 = arith.constant 0 : i32
    return %c0_i32, %c0_i32_0 : i32, i32
  }
  func.func @transform_13(%arg0: i32) -> (i32, i32) {
    %c0_i32 = arith.constant 0 : i32
    %c0_i32_0 = arith.constant 0 : i32
    %c0_i32_1 = arith.constant 0 : i32
    return %c0_i32, %c0_i32_0 : i32, i32
  }
  func.func @transform_14(%arg0: i32) -> (i32, i32) {
    %c0_i32 = arith.constant 0 : i32
    %c0_i32_0 = arith.constant 0 : i32
    %c0_i32_1 = arith.constant 0 : i32
    return %c0_i32, %c0_i32_0 : i32, i32
  }
  func.func @transform_15(%arg0: i32) -> (i32, i32) {
    %c0_i32 = arith.constant 0 : i32
    %c0_i32_0 = arith.constant 0 : i32
    %c0_i32_1 = arith.constant 0 : i32
    return %c0_i32, %c0_i32_0 : i32, i32
  }
  func.func @transform_16(%arg0: i32) -> (i32, i32) {
    %c0_i32 = arith.constant 0 : i32
    %c0_i32_0 = arith.constant 0 : i32
    %c0_i32_1 = arith.constant 0 : i32
    return %c0_i32, %c0_i32_0 : i32, i32
  }
  func.func @transform_17(%arg0: i32) -> (i32, i32) {
    %c0_i32 = arith.constant 0 : i32
    %c0_i32_0 = arith.constant 0 : i32
    %c0_i32_1 = arith.constant 0 : i32
    return %c0_i32, %c0_i32_0 : i32, i32
  }
  func.func @transform_18(%arg0: i32) -> (i32, i32) {
    %c0_i32 = arith.constant 0 : i32
    %c0_i32_0 = arith.constant 0 : i32
    %c0_i32_1 = arith.constant 0 : i32
    return %c0_i32, %c0_i32_0 : i32, i32
  }
  func.func @transform_19(%arg0: i32) -> (i32, i32) {
    %c0_i32 = arith.constant 0 : i32
    %c0_i32_0 = arith.constant 0 : i32
    %c0_i32_1 = arith.constant 0 : i32
    return %c0_i32, %c0_i32_0 : i32, i32
  }
  func.func @transform_20(%arg0: i32) -> (i32, i32) {
    %c0_i32 = arith.constant 0 : i32
    %c0_i32_0 = arith.constant 0 : i32
    %c0_i32_1 = arith.constant 0 : i32
    return %c0_i32, %c0_i32_0 : i32, i32
  }
  func.func @transform_21(%arg0: i32) -> (i32, i32) {
    %c0_i32 = arith.constant 0 : i32
    %c0_i32_0 = arith.constant 0 : i32
    return %arg0, %c0_i32 : i32, i32
  }
}

module attributes {stable_mosaic.version = 14 : i64} {
  func.func @_phase_e_body(%arg0: i32, %arg1: memref<2x2000x128xf32, #tpu.memory_space<vmem>>, %arg2: memref<2000x4xf32, #tpu.memory_space<vmem>>) attributes {dimension_semantics = [#tpu.dimension_semantics<arbitrary>], iteration_bounds = array<i64: 5>, scalar_prefetch = 0 : i64, scratch_operands = 0 : i64, tpu.core_type = #tpu.core_type<tc>, window_params = [{transform_indices = @transform_0, window_bounds = array<i64: 2, 2000, 128>}, {transform_indices = @transform_1, window_bounds = array<i64: 2000, 4>}]} {
    %get3A = arith.constant 0 : index
    %get3A_0 = arith.constant 0 : index
    %get3A_1 = arith.constant 0 : index
    %get3A_2 = vector.load %arg1[%get3A, %get3A_0, %get3A_1] : memref<2x2000x128xf32, #tpu.memory_space<vmem>>, vector<1x2000x128xf32>
    %get3A_3 = vector.shape_cast %get3A_2 : vector<1x2000x128xf32> to vector<2000x128xf32>
    %get3A_4 = arith.constant 1 : index
    %get3A_5 = arith.constant 0 : index
    %get3A_6 = arith.constant 0 : index
    %get3A_7 = vector.load %arg1[%get3A_4, %get3A_5, %get3A_6] : memref<2x2000x128xf32, #tpu.memory_space<vmem>>, vector<1x2000x128xf32>
    %get3A_8 = vector.shape_cast %get3A_7 : vector<1x2000x128xf32> to vector<2000x128xf32>
    %add3A = arith.addf %get3A_3, %get3A_8 : vector<2000x128xf32>
    %slice3A = vector.extract_strided_slice %add3A {offsets = [0, 0], sizes = [2000, 16], strides = [1, 1]} : vector<2000x128xf32> to vector<2000x16xf32>
    %add3A_9 = arith.constant 1.000000e-16 : f32
    %add3A_10 = vector.broadcast %add3A_9 : f32 to vector<2000x16xf32>
    %add3A_11 = arith.addf %slice3A, %add3A_10 : vector<2000x16xf32>
    %mul3A = arith.constant 1.600000e+01 : f32
    %mul3A_12 = vector.broadcast %mul3A : f32 to vector<2000x16xf32>
    %mul3A_13 = arith.mulf %add3A_11, %mul3A_12 : vector<2000x16xf32>
    %div3A = arith.constant 1.000000e+00 : f32
    %div3A_14 = vector.broadcast %div3A : f32 to vector<2000x16xf32>
    %div3A_15 = arith.divf %div3A_14, %mul3A_13 : vector<2000x16xf32>
    %slice3A_16 = vector.extract_strided_slice %add3A {offsets = [0, 16], sizes = [2000, 16], strides = [1, 1]} : vector<2000x128xf32> to vector<2000x16xf32>
    %mul3A_17 = arith.mulf %slice3A_16, %div3A_15 : vector<2000x16xf32>
    %reduce_sum3A = arith.constant dense<0.000000e+00> : vector<2000xf32>
    %reduce_sum3A_18 = vector.multi_reduction <add>, %mul3A_17, %reduce_sum3A [1] : vector<2000x16xf32> to vector<2000xf32>
    %broadcast_in_dim3A = vector.shape_cast %reduce_sum3A_18 : vector<2000xf32> to vector<2000x1xf32>
    %slice3A_19 = vector.extract_strided_slice %add3A {offsets = [0, 32], sizes = [2000, 16], strides = [1, 1]} : vector<2000x128xf32> to vector<2000x16xf32>
    %mul3A_20 = arith.mulf %slice3A_19, %div3A_15 : vector<2000x16xf32>
    %reduce_sum3A_21 = arith.constant dense<0.000000e+00> : vector<2000xf32>
    %reduce_sum3A_22 = vector.multi_reduction <add>, %mul3A_20, %reduce_sum3A_21 [1] : vector<2000x16xf32> to vector<2000xf32>
    %broadcast_in_dim3A_23 = vector.shape_cast %reduce_sum3A_22 : vector<2000xf32> to vector<2000x1xf32>
    %slice3A_24 = vector.extract_strided_slice %add3A {offsets = [0, 48], sizes = [2000, 16], strides = [1, 1]} : vector<2000x128xf32> to vector<2000x16xf32>
    %mul3A_25 = arith.mulf %slice3A_24, %div3A_15 : vector<2000x16xf32>
    %reduce_sum3A_26 = arith.constant dense<0.000000e+00> : vector<2000xf32>
    %reduce_sum3A_27 = vector.multi_reduction <add>, %mul3A_25, %reduce_sum3A_26 [1] : vector<2000x16xf32> to vector<2000xf32>
    %broadcast_in_dim3A_28 = vector.shape_cast %reduce_sum3A_27 : vector<2000xf32> to vector<2000x1xf32>
    %mul3A_29 = arith.constant 0.000000e+00 : f32
    %mul3A_30 = vector.broadcast %mul3A_29 : f32 to vector<2000x1xf32>
    %mul3A_31 = arith.mulf %broadcast_in_dim3A, %mul3A_30 : vector<2000x1xf32>
    %concatenate3A = tpu.concatenate %broadcast_in_dim3A, %broadcast_in_dim3A_23, %broadcast_in_dim3A_28, %mul3A_31 in 1 : vector<2000x1xf32>, vector<2000x1xf32>, vector<2000x1xf32>, vector<2000x1xf32> -> vector<2000x4xf32>
    %swap3A = arith.constant 0 : index
    %swap3A_32 = arith.constant 0 : index
    %swap3A_33 = vector.load %arg2[%swap3A, %swap3A_32] : memref<2000x4xf32, #tpu.memory_space<vmem>>, vector<2000x4xf32>
    tpu.vector_store %arg2[%swap3A, %swap3A_32], %concatenate3A {strides = array<i32>} : memref<2000x4xf32, #tpu.memory_space<vmem>>, vector<2000x4xf32>,
    return
  }
  func.func @transform_0(%arg0: i32) -> (i32, i32, i32) {
    %c0_i32 = arith.constant 0 : i32
    %c0_i32_0 = arith.constant 0 : i32
    %c0_i32_1 = arith.constant 0 : i32
    return %c0_i32, %arg0, %c0_i32_0 : i32, i32, i32
  }
  func.func @transform_1(%arg0: i32) -> (i32, i32) {
    %c0_i32 = arith.constant 0 : i32
    %c0_i32_0 = arith.constant 0 : i32
    return %arg0, %c0_i32 : i32, i32
  }
}

</mosaic_0001>

<sc_bundles>
// kernel: kernel.10.cloned.1.call-start
scs
__scs_entry_jumppad:
0x0: {  	(pc) =	sbr.rel $0x88, $3  }
0x1: {  	(tag) =	ssettag $0x0;
	lr =	simm.s32 $0x1  }
0x2: {  	[smem:$0x3F88] =	sst lr;
	_ =	strace $0xD0000000  }
0x3: {  	_ = 	snop  }
0x4: {  	_ = 	snop  }
0x5: {  	_ = 	snop  }
0x6: {  	_ = 	snop  }
0x7: {  	_ = 	snop  }
__scs_overlays_trampoline_lowered:
0x8: {  	[smem:$0x3F97] =	sst s0  }
0x9: {  	[smem:$0x3F98] =	sst s1  }
0xa: {  	[smem:$0x3F99] =	sst s2  }
0xb: {  	[smem:$0x3F9A] =	sst s3  }
0xc: {  	[smem:$0x3F9B] =	sst s4  }
0xd: {  	[smem:$0x3F9C] =	sst s5  }
0xe: {  	[smem:$0x3F9D] =	sst s6  }
0xf: {  	[smem:$0x3F9E] =	sst s7  }
0x10: {  	[smem:$0x3F9F] =	sst s8  }
0x11: {  	[smem:$0x3FA0] =	sst s9;
	s0 =	simm.s32 @!p0 $0x0  }
0x12: {  	s1 =	sld [smem:$0x3F86];
	s0 =	simm.s32 @p0 $0x1  }
0x13: {  	[smem:$0x3FA1] =	sst s0;
	s0 =	simm.s32 @!p1 $0x0  }
0x14: {  	s2 =	sld [smem:$0x3F85];
	s0 =	simm.s32 @p1 $0x1  }
0x15: {  	[smem:$0x3FA2] =	sst s0;
	s0 =	simm.s32 @!p2 $0x0  }
0x16: {  	s3 =	sld [smem:$0x3FDB];
	s0 =	simm.s32 @p2 $0x1  }
0x17: {  	s4 =	simm.s32 $0x1BF5;
	[smem:$0x3FA4] =	sst s0  }
0x18: {  	s0 =	sld [smem:$0x3F87];
	_ =	swait.ge [sflag:s4], $0x0  }
0x19: {  	s7 =	sld [smem:$0x3F88]  }
0x1a: {  	s8 =	sadd.s32 $0xFFFFE003, lr  }
0x1b: {  	s9 =	sadd.s32 $0xFFFFFEF7, lr;
	s5 =	simm.s32 $0xFFFFFFFF;
	p2 =	slt.u32 s8, $0xFFFFF086  }
0x1c: {  	p1 =	slt.u32 s9, $0xF7A;
	s5 =	simm.s32 @!p2 $0x0  }
0x1d: {  	s5 =	simm.s32 @p1 $0x1;
	p0 =	seq.s32 s7, s2  }
0x1e: {  	s7 =	smul.u32 @!p0 $0xF7A, s2;
	p2 =	seq.s32 @!p0 s5, $0x0  }
0x1f: {  	s9 =	smul.u32 $0xF7A, s1;
	s8 =	simm.s32 @!p0 $0x1BF5;
	p2 =	por !p2, p0  }
0x20: {  	[sflag:s8] =	ssyncset.s32 @!p0 $0xFFFFF086;
	s6 =	sadd.s32 @!p0 s3, s7;
	s7 =	simm.s32 @!p0 $0x108  }
0x21: {  	s3 =	sadd.s32 s3, s9;
	s6 =	sadd.s32 @!p0 $0x88, s6;
	s7 =	simm.s32 @p2 $0x1082  }
0x22: {  	[simem:s7], [sflag:s8] =	dma.local @!p0 [hbm:s6], $0xF7A  }
0x23: {  	s9 =	sor.u32 $0xD0000000, s2;
	s6 =	simm.s32 $0x108;
	_ =	swait.ge @!p0 [sflag:s8], $0x0  }
0x24: {  	s3 =	sadd.s32 $0x88, s3;
	s6 =	simm.s32 @!p1 $0x1082;
	[sflag:s4] =	ssyncset.s32 $0xFFFFF086  }
0x25: {  	[simem:s6], [sflag:s4] =	dma.local [hbm:s3], $0xF7A  }
0x26: {  	[smem:$0x3F88] =	sst s1;
	(tag) =	ssettag s2;
	_ =	strace s9  }
0x27: {  	s1 =	sld [smem:$0x3F98]  }
0x28: {  	s2 =	sld [smem:$0x3F99]  }
0x29: {  	s4 =	sld [smem:$0x3F9B]  }
0x2a: {  	p0 =	seq.s32 s5, $0x0;
	s5 =	sld [smem:$0x3F9C]  }
0x2b: {  	s6 =	sld [smem:$0x3F9D]  }
0x2c: {  	s7 =	sld [smem:$0x3F9E]  }
0x2d: {  	s3 =	simm.s32 $0x108;
	s8 =	sld [smem:$0x3F9F]  }
0x2e: {  	s3 =	simm.s32 @!p0 $0x1082;
	s9 =	sld [smem:$0x3FA0]  }
0x2f: {  	lr =	sadd.s32 s0, s3;
	s0 =	sld [smem:$0x3F97]  }
0x30: {  	s3 =	sld [smem:$0x3F9A]  }
0x31: {  	[smem:$0x3FA3] =	sst s10  }
0x32: {  	s10 =	sld [smem:$0x3FA1];
	_ =	sdelay $0x3  }
0x33: {  	p0 =	seq.s32 s10, $0x1;
	s10 =	sld [smem:$0x3FA3];
	_ =	sdelay $0x3  }
0x34: {  	[smem:$0x3FA3] =	sst s10  }
0x35: {  	s10 =	sld [smem:$0x3FA2];
	_ =	sdelay $0x3  }
0x36: {  	p1 =	seq.s32 s10, $0x1;
	s10 =	sld [smem:$0x3FA3];
	_ =	sdelay $0x3  }
0x37: {  	[smem:$0x3FA3] =	sst s10  }
0x38: {  	s10 =	sld [smem:$0x3FA4]  }
0x39: {  	_ = 	snop;
	(pc) =	sbr.ind lr, $3  }
0x3a: {  	_ = 	snop  }
0x3b: {  	_ = 	snop  }
0x3c: {  	p2 =	seq.s32 s10, $0x1;
	s10 =	sld [smem:$0x3FA3]  }
0x3d: {  	_ =	shalt  }
0x3e: {  	_ =	shalt  }
0x3f: {  	_ =	shalt  }
0x40: {  	_ =	shalt  }
0x41: {  	_ =	shalt  }
0x42: {  	_ =	shalt  }
0x43: {  	_ =	shalt  }
0x44: {  	_ =	shalt  }
0x45: {  	_ =	shalt  }
0x46: {  	_ =	shalt  }
0x47: {  	_ =	shalt  }
0x48: {  	_ =	shalt  }
0x49: {  	_ =	shalt  }
0x4a: {  	_ =	shalt  }
0x4b: {  	_ =	shalt  }
0x4c: {  	_ =	shalt  }
0x4d: {  	_ =	shalt  }
0x4e: {  	_ =	shalt  }
0x4f: {  	_ =	shalt  }
0x50: {  	_ =	shalt  }
0x51: {  	_ =	shalt  }
0x52: {  	_ =	shalt  }
0x53: {  	_ =	shalt  }
0x54: {  	_ =	shalt  }
0x55: {  	_ =	shalt  }
0x56: {  	_ =	shalt  }
0x57: {  	_ =	shalt  }
0x58: {  	_ =	shalt  }
0x59: {  	_ =	shalt  }
0x5a: {  	_ =	shalt  }
0x5b: {  	_ =	shalt  }
0x5c: {  	_ =	shalt  }
0x5d: {  	_ =	shalt  }
0x5e: {  	_ =	shalt  }
0x5f: {  	_ =	shalt  }
0x60: {  	_ =	shalt  }
0x61: {  	_ =	shalt  }
0x62: {  	_ =	shalt  }
0x63: {  	_ =	shalt  }
0x64: {  	_ =	shalt  }
0x65: {  	_ =	shalt  }
0x66: {  	_ =	shalt  }
0x67: {  	_ =	shalt  }
0x68: {  	_ =	shalt  }
0x69: {  	_ =	shalt  }
0x6a: {  	_ =	shalt  }
0x6b: {  	_ =	shalt  }
0x6c: {  	_ =	shalt  }
0x6d: {  	_ =	shalt  }
0x6e: {  	_ =	shalt  }
0x6f: {  	_ =	shalt  }
0x70: {  	_ =	shalt  }
0x71: {  	_ =	shalt  }
0x72: {  	_ =	shalt  }
0x73: {  	_ =	shalt  }
0x74: {  	_ =	shalt  }
0x75: {  	_ =	shalt  }
0x76: {  	_ =	shalt  }
0x77: {  	_ =	shalt  }
0x78: {  	_ =	shalt  }
0x79: {  	_ =	shalt  }
0x7a: {  	_ =	shalt  }
0x7b: {  	_ =	shalt  }
0x7c: {  	_ =	shalt  }
0x7d: {  	_ =	shalt  }
0x7e: {  	_ =	shalt  }
0x7f: {  	_ =	shalt  }
0x80: {  	_ =	shalt  }
0x81: {  	_ =	shalt  }
0x82: {  	_ =	shalt  }
0x83: {  	_ =	shalt  }
0x84: {  	_ =	shalt  }
0x85: {  	_ =	shalt  }
0x86: {  	_ =	shalt  }
0x87: {  	_ =	shalt  }
.Lfunc_end0:
.L_simem_size_0:
called_computation.1_lowered:
.L_overlay_start_0:
0x88: {  	s2 =	sld [smem:$0x3FD9]  }
0x89: {  	s3 =	sld [smem:$0x3FFE];
	_ =	sdelay $0x1  }
0x8a: {  	s1 =	srdreg.scid  }
0x8b: {  	s0 =	sand.u32 $0x1, s1  }
0x8c: {  	s16 =	sshll.u32 s0, $0xA;
	s2 =	sadd.s32 s3, s2  }
0x8d: {  	s2 =	sadd.s32 s2, s16  }
0x8e: {  	[smem:$0x3FAF] =	sst s2  }
0x8f: {  	_ = 	snop  }
0x90: {  	(tm) =	ssettm $0x1  }
0x91: {  	s17 =	sld [smem:$0x3FFB];
	_ =	sdelay $0x3  }
0x92: {  	_ =	strace s17  }
0x93: {  	s2 =	sld [smem:$0x3FFC];
	_ =	sdelay $0x3  }
0x94: {  	_ =	strace s2  }
0x95: {  	s2 =	sld [smem:$0x3FFD];
	_ =	sdelay $0x3  }
0x96: {  	_ =	strace s2  }
0x97: {  	_ =	strace $0x8FFFFFFF  }
0x98: {  	s18 =	sld [smem:$0x3FDB];
	_ =	sdelay $0x1  }
0x99: {  	s19 =	simm.s32 $_scs_section_size  }
0x9a: {  	s4 =	simm.s32 $_size__tile_overlayer_lowered;
	s5 =	simm.s32 $_tile_overlayer_lowered  }
0x9b: {  	s22 =	simm.s32 $0x1BFF;
	s21 =	sshll.u32 s5, $0x1;
	s2 =	sadd.s32 s19, s18  }
0x9c: {  	s6 =	simm.s32 $0x0;
	s20 =	sshll.u32 s4, $0x1;
	s4 =	sadd.s32 s21, s2  }
0x9d: {  	[timem:s6], [sflag:s22] =	dma.local [hbm:s4], s20  }
0x9e: {  	_ =	swait.ge [sflag:s22], s20  }
0x9f: {  	s3 =	ssub.s32 $0x0, s20;
	[sflag:s22] =	ssyncset.done $0x0  }
0xa0: {  	[sflag:s22] =	ssyncadd.s32 s3;
	_ =	sdelay $0x1  }
0xa1: {  	s23 =	simm.s32 $0x1B8B  }
0xa2: {  	_ =	swait.ge [sflag:s23], $0x1  }
0xa3: {  	[sflag:s23] =	ssyncset.done $0x0  }
0xa4: {  	s25 =	simm.s32 $0x1B8E;
	s24 =	sld [smem:$0x3FFE];
	[sflag:s23] =	ssyncadd.s32 $0xFFFFFFFF  }
0xa5: {  	s26 =	simm.s32 $execute0_lowered;
	[smem:$0x3FD2] =	sst s25  }
0xa6: {  	s4 =	sshll.u32 s26, $0x1;
	_ =	strace $0x80000049;
	[dreg:$0x1] =	wrdreg $0xFFFFFFFF  }
0xa7: {  	s28 =	simm.s32 $_size_execute0_lowered;
	s2 =	sadd.s32 s2, s4;
	[dreg:$0x0] =	wrdreg $0x0  }
0xa8: {  	s4 =	sshll.u32 s28, $0x1;
	[dreg:$0x2] =	wrdreg s2  }
0xa9: {  	[dreg:$0x3] =	wrdreg s4  }
0xaa: {  	[dreg:$0x4] =	wrdreg $0xC0  }
0xab: {  	_ =	task [dreg:s6], $0x5FFFF  }
0xac: {  	[dreg:$0x1] =	wrdreg $0xFFFFFFFF  }
0xad: {  	[dreg:$0x0] =	wrdreg $0x60  }
0xae: {  	[dreg:$0x2] =	wrdreg s24  }
0xaf: {  	[dreg:$0x3] =	wrdreg $0x51000  }
0xb0: {  	[dreg:$0x4] =	wrdreg $0x9  }
0xb1: {  	_ =	task.clear_ibuf [dreg:s6], $0x5FFFF;
	_ =	strace $0x90000049  }
0xb2: {  	s29 =	simm.s32 $0x9;
	_ =	strace $0x8000004B  }
0xb3: {  	_ =	swait.ge [sflag:s29], $0x1  }
0xb4: {  	[sflag:s29] =	ssyncadd.s32 $0xFFFFFFFF  }
0xb5: {  	_ =	strace $0x9000004B  }
0xb6: {  	_ =	sfence  }
0xb7: {  	s30 =	sld [smem:$0x0];
	_ =	sdelay $0x2  }
0xb8: {  	s31 =	sshll.u32 s1, $0xD;
	s1 =	sshrl.u32 s1, $0x2  }
0xb9: {  	s3 =	sand.u32 $0x4000, s31;
	s1 =	sadd.s32 s1, s30  }
0xba: {  	s0 =	sor.u32 s3, s0;
	s1 =	sshll.u32 s1, $0x11  }
0xbb: {  	s0 =	sor.u32 s1, s0  }
0xbc: {  	s0 =	sadd.s32 $0x8F2B, s0  }
0xbd: {  	[sflag:s0] =	ssyncadd.remote.s32 $0x1  }
0xbe: {  	_ =	sfence.sel $0xFFFF  }
0xbf: {  	[dreg:$0x0] =	wrdreg $0xFFFFFFFF;
	(pc) =	sbr.abs _section_cstart, $3  }
0xc0: {  	[dreg:$0x1] =	wrdreg $0xFFFFFFFF  }
0xc1: {  	_ =	task.clear_ibuf [dreg:s6], $0x2FFFF;
	_ =	strace $0x9FFFFFFF  }
0xc2: {  	(tm) =	ssettm $0x7FFFFFFF  }
0xc3: {  	_ =	shalt  }
tec
execute0_lowered:
.L_overlay_start_1:
0x0: {  	(tag) =	ssettag $0x1  }
0x1: {  	s6 =	rddreg [dreg:$0x0];
	s1 =	stileid.u32  }
0x2: {  	s2 =	rddreg [dreg:$0x1];
	s9 =	smul.u32 $0x14000, s1  }
0x3: {  	s0 =	rddreg [dreg:$0x2];
	s24 =	smul.u32 $0x50000, s1  }
0x4: {  	s4 =	srdreg.scid;
	s15 =	smul.u32 $0x4E200, s1  }
0x5: {  	s3 =	simm.s32 $0x0;
	s7 =	sand.u32 $0x1, s4;
	s18 =	smul.u32 $0x4E20, s1  }
0x6: {  	[smem:$0x7FF] =	sst s3;
	s8 =	smul.u32 $0x140000, s7  }
0x7: {  	s23 =	sshll.u32 s1, $0x1;
	s11 =	sadd.s32 $0xF0CE00, s6;
	s16 =	smul.u32 $0x27100, s7  }
0x8: {  	s4 =	sadd.s32 $0xEE00, s6;
	s10 =	sor.u32 s7, s23;
	s30 =	smul.u32 $0x2710, s7  }
0x9: {  	s5 =	sadd.s32 $0x5000, s6;
	s28 =	sshll.u32 s1, $0x6;
	s12 =	smul.u32 $0x2710, s10  }
0xa: {  	_ =	strace $0x8000004A;
	s13 =	ssub.s32 $0x2, s7;
	s10 =	smul.u32 $0x27100, s10  }
0xb: {  	s25 =	sshrl.u32 s13, $0x1;
	s26 =	sshrl.u32 s24, $0x2;
	s31 =	sadd.s32 s15, s11  }
0xc: {  	s15 =	simm.s32 $0x100;
	s8 =	sadd.s32 s9, s8;
	s13 =	ssub.s32 s13, s25  }
0xd: {  	s17 =	sadd.s32 s26, s2;
	s8 =	sshrl.u32 s8, $0x3;
	s29 =	sshrl.u32 s12, $0x3  }
0xe: {  	s12 =	sadd.s32 s30, s18;
	s18 =	simm.s32 $0x0;
	s14 =	sadd.s32 s8, s6  }
0xf: {  	s6 =	sor.u32 $0x1C03, s28;
	s7 =	sadd.s32 s4, s29;
	s8 =	sadd.s32 s11, s10  }
0x10: {  	s11 =	sadd.s32 s16, s31;
	s10 =	smax.u32 s13, $0x1;
	s12 =	sadd.s32 $0x50, s12  }
0x11: {  	s13 =	sshrl.u32 s17, $0x3;
	s16 =	simm.s32 $0x50;
	s17 =	simm.s32 $0x1  }
0x12: {  	s9 =	sadd.s32 $0x18C00, s14;
	s11 =	sadd.s32 $0x500, s11;
	s14 =	simm.s32 $0x3  }
.LBB2_1:
0x13: {  	[spmem:s13], [sflag:s6] =	dma.local [hbm:s5], $0x2800  }
0x14: {  	_ =	swait.ge [sflag:s14], $0x2800  }
0x15: {  	[sflag:s14] =	ssyncset.done $0x0  }
0x16: {  	[sflag:s14] =	ssyncadd.s32 $0xFFFFD800  }
0x17: {  	[bflag:$0x0] =	sbarrier.arrive $0xFFFF  }
0x18: {  	[tilespmem:s3], [sflag:$0x3] =	stream.linear.gather [hbm4b:s7+s3], $0x50, $0x38;
	[tilespmem:$0x19100] =	vst v63  }
0x19: {  	_ =	swait.ge [sflag:s14], $0x50  }
0x1a: {  	s19 =	sand.u32 $0x1, s3;
	[sflag:s14] =	ssyncset.done $0x0  }
0x1b: {  	s21 =	sshrl.u32 s12, $0x3;
	s20 =	sxor.u32 $0x1, s19;
	[sflag:s14] =	ssyncadd.s32 $0xFFFFFFB0  }
0x1c: {  	[tilespmem:s15], [sflag:$0x1] =	stream.linear.gather [hbm4b:s8+s3], $0x2800, $0x38;
	[tilespmem:$0x19100] =	vst v63  }
0x1d: {  	s21 =	sadd.s32 s4, s21;
	s22 =	sshll.u32 s20, $0x7;
	s23 =	smul.u32 $0xA000, s20  }
0x1e: {  	[tilespmem:s22], [sflag:$0x3] =	stream.linear.gather [hbm4b:s21+s3], $0x50, $0x38;
	[tilespmem:$0x19100] =	vst v63  }
0x1f: {  	s28 =	smul.u32 $0xA000, s19;
	_ =	swait.ge [sflag:s14], $0x50  }
0x20: {  	s29 =	sadd.s32 $0x1, s19;
	s26 =	sshrl.u32 s23, $0x2;
	[sflag:s14] =	ssyncset.done $0x0  }
0x21: {  	s20 =	sadd.s32 $0x1, s20;
	s21 =	sor.u32 $0x100, s26;
	[sflag:s14] =	ssyncadd.s32 $0xFFFFFFB0  }
0x22: {  	[tilespmem:s21], [sflag:s20] =	stream.linear.gather [hbm4b:s11+s3], $0x2800, $0x38;
	[tilespmem:$0x19100] =	vst v63  }
0x23: {  	_ =	swait.ge [sflag:s29], $0x2800  }
0x24: {  	s30 =	simm.s32 $0x1;
	s31 =	sshrl.u32 s28, $0x2;
	[sflag:s29] =	ssyncset.done $0x0  }
0x25: {  	s19 =	sshll.u32 s19, $0x7;
	s21 =	sor.u32 $0x100, s31;
	[sflag:s29] =	ssyncadd.s32 $0xFFFFD800  }
0x26: {  	[spmem:s2] =	stream.indirect.scatter.add.f32 [tilespmem:s21], [sflag:$0x3], $0x80, s19, s16, $0xb8;
	[tilespmem:$0x19100] =	vst v63  }
0x27: {  	s22 =	simm.s32 $0x2;
	s20 =	sand.u32 $0x1, s30;
	_ =	swait.ge [sflag:s14], $0x2800  }
0x28: {  	s19 =	sadd.s32 $0x500, s11;
	s21 =	sadd.s32 $0x50, s12;
	[sflag:s14] =	ssyncset.done $0x0  }
.LBB2_2:
0x29: {  	s23 =	sxor.u32 $0x1, s20  }
0x2a: {  	s24 =	sshrl.u32 s21, $0x3;
	[sflag:s14] =	ssyncadd.s32 $0xFFFFD800;
	s25 =	smov.u32 s22  }
0x2b: {  	s26 =	sshll.u32 s23, $0x7;
	s24 =	sadd.s32 s4, s24;
	s28 =	smul.u32 $0xA000, s23  }
0x2c: {  	[tilespmem:s26], [sflag:$0x3] =	stream.linear.gather [hbm4b:s24+s3], $0x50, $0x38;
	[tilespmem:$0x19100] =	vst v63  }
0x2d: {  	s24 =	sadd.s32 $0x1, s22;
	_ =	swait.ge [sflag:s14], $0x50;
	s26 =	sshrl.u32 s28, $0x2  }
0x2e: {  	s28 =	smul.u32 $0xA000, s20;
	[sflag:s14] =	ssyncset.done $0x0;
	s26 =	sor.u32 $0x100, s26  }
0x2f: {  	s29 =	sadd.s32 $0x1, s20;
	s23 =	sadd.s32 $0x1, s23;
	[sflag:s14] =	ssyncadd.s32 $0xFFFFFFB0  }
0x30: {  	[tilespmem:s26], [sflag:s23] =	stream.linear.gather [hbm4b:s19+s3], $0x2800, $0x38;
	[tilespmem:$0x19100] =	vst v63  }
0x31: {  	p0 =	sne.s32 s22, $0x7B;
	s22 =	sshrl.u32 s28, $0x2;
	_ =	swait.ge [sflag:s29], $0x2800  }
.Ltmp0:
0x32: {  	[sflag:s29] =	ssyncset.done $0x0;
	(pc) =	sbr.rel @p0 .LBB2_2-.Ltmp0, $4  }
0x33: {  	s20 =	sshll.u32 s20, $0x7;
	s22 =	sor.u32 $0x100, s22;
	[sflag:s29] =	ssyncadd.s32 $0xFFFFD800  }
0x34: {  	[spmem:s2] =	stream.indirect.scatter.add.f32 [tilespmem:s22], [sflag:$0x3], $0x80, s20, s16, $0xb8;
	[tilespmem:$0x19100] =	vst v63  }
0x35: {  	s21 =	sadd.s32 $0x50, s21;
	s19 =	sadd.s32 $0x500, s19;
	_ =	swait.ge [sflag:s14], $0x2800  }
0x36: {  	s20 =	sand.u32 $0x1, s25;
	s22 =	smov.u32 s24;
	[sflag:s14] =	ssyncset.done $0x0  }
0x37: {  	s22 =	sxor.u32 $0x1, s20;
	s21 =	sshrl.u32 s21, $0x3;
	[sflag:s14] =	ssyncadd.s32 $0xFFFFD800  }
0x38: {  	s23 =	sshll.u32 s22, $0x7;
	s21 =	sadd.s32 s4, s21;
	s24 =	smul.u32 $0xA000, s22  }
0x39: {  	[tilespmem:s23], [sflag:$0x3] =	stream.linear.gather [hbm4b:s21+s3], $0x50, $0x38;
	[tilespmem:$0x19100] =	vst v63  }
0x3a: {  	s28 =	smul.u32 $0xA000, s20;
	_ =	swait.ge [sflag:s14], $0x50  }
0x3b: {  	s29 =	sadd.s32 $0x1, s20;
	s26 =	sshrl.u32 s24, $0x2;
	[sflag:s14] =	ssyncset.done $0x0  }
0x3c: {  	s22 =	sadd.s32 $0x1, s22;
	s21 =	sor.u32 $0x100, s26;
	[sflag:s14] =	ssyncadd.s32 $0xFFFFFFB0  }
0x3d: {  	[tilespmem:s21], [sflag:s22] =	stream.linear.gather [hbm4b:s19+s3], $0x2800, $0x38;
	[tilespmem:$0x19100] =	vst v63  }
0x3e: {  	_ =	swait.ge [sflag:s29], $0x2800  }
0x3f: {  	s30 =	sshrl.u32 s28, $0x2;
	[sflag:s29] =	ssyncset.done $0x0  }
0x40: {  	s31 =	sshll.u32 s20, $0x7;
	s19 =	sor.u32 $0x100, s30;
	[sflag:s29] =	ssyncadd.s32 $0xFFFFD800  }
0x41: {  	[spmem:s2] =	stream.indirect.scatter.add.f32 [tilespmem:s19], [sflag:$0x3], $0x80, s31, s16, $0xb8;
	[tilespmem:$0x19100] =	vst v63  }
0x42: {  	_ =	swait.ge [sflag:s14], $0x2800  }
0x43: {  	[sflag:s14] =	ssyncset.done $0x0  }
0x44: {  	[sflag:s14] =	ssyncadd.s32 $0xFFFFD800  }
0x45: {  	_ =	swait.ge [sflag:s17], $0x2800  }
0x46: {  	[sflag:s17] =	ssyncset.done $0x0  }
0x47: {  	[sflag:s17] =	ssyncadd.s32 $0xFFFFD800  }
0x48: {  	[spmem:s2] =	stream.indirect.scatter.add.f32 [tilespmem:s15], [sflag:$0x3], $0x80, s3, s16, $0xb8;
	[tilespmem:$0x19100] =	vst v63  }
0x49: {  	_ =	swait.ge [sflag:s14], $0x2800  }
0x4a: {  	s18 =	sadd.s32 $0x1, s18;
	[sflag:s14] =	ssyncset.done $0x0  }
0x4b: {  	p0 =	sne.s32 s18, s10;
	[sflag:s14] =	ssyncadd.s32 $0xFFFFD800  }
.Ltmp1:
0x4c: {  	[bflag:$0x0] =	sbarrier.arrive $0xFFFF;
	(pc) =	sbr.rel @p0 .LBB2_1-.Ltmp1, $4  }
0x4d: {  	[hbm:s9], [sflag:s6] =	dma.local [spmem:s13], $0x2800  }
0x4e: {  	_ =	swait.ge [sflag:s14], $0x2800  }
0x4f: {  	[sflag:s14] =	ssyncset.done $0x0  }
0x50: {  	[sflag:s14] =	ssyncadd.s32 $0xFFFFD800  }
0x51: {  	_ =	sfence.sel $0x180000  }
0x52: {  	[bflag:$0x0] =	sbarrier.arrive $0xFFFF  }
0x53: {  	p0 =	sne.s32 s1, $0x0;
	_ =	strace $0x9000004A  }
0x54: {  	s0 =	sadd.s32 @!p0 $0x100000, s0;
	[bflag:$0x2] =	sbarrier.arrive $0xFFFF  }
0x55: {  	[sflag:s0] =	ssyncadd.tile.s32 @!p0 $0x1;
	_ =	shalt  }
.Lfunc_end2:
_tile_overlayer_lowered:
.L_overlay_start_2:
0x56: {  	(tag) =	ssettag $0x2  }
0x57: {  	s0 =	rddreg [dreg:$0x0];
	s2 =	stileid.u32  }
0x58: {  	s1 =	rddreg [dreg:$0x1];
	p0 =	sne.s32 s2, $0x0  }
0x59: {  	s3 =	rddreg [dreg:$0x2];
	[bflag:$0x3] =	sbarrier.arrive $0xFFFF;
	s2 =	simm.s32 @!p0 $0x1C03  }
0x5a: {  	[timem:s3], [sflag:s2] =	dma.local @!p0 [hbm:s0], s1  }
0x5b: {  	s0 =	simm.s32 @!p0 $0x3  }
0x5c: {  	_ =	swait.ge @!p0 [sflag:s0], s1  }
0x5d: {  	s1 =	ssub.s32 @!p0 $0x0, s1;
	[sflag:s0] =	ssyncset.done @!p0 $0x0  }
0x5e: {  	[sflag:s0] =	ssyncadd.s32 @!p0 s1  }
0x5f: {  	[bflag:$0x3] =	sbarrier.arrive $0xFFFF  }
0x60: {  	_ =	shalt  }

// kernel: kernel.7.cloned.1.call-start
scs
__scs_entry_jumppad:
0x0: {  	(pc) =	sbr.rel $0x88, $3  }
0x1: {  	(tag) =	ssettag $0x0;
	lr =	simm.s32 $0x1  }
0x2: {  	[smem:$0x3F88] =	sst lr;
	_ =	strace $0xD0000000  }
0x3: {  	_ = 	snop  }
0x4: {  	_ = 	snop  }
0x5: {  	_ = 	snop  }
0x6: {  	_ = 	snop  }
0x7: {  	_ = 	snop  }
__scs_overlays_trampoline_lowered:
0x8: {  	[smem:$0x3F97] =	sst s0  }
0x9: {  	[smem:$0x3F98] =	sst s1  }
0xa: {  	[smem:$0x3F99] =	sst s2  }
0xb: {  	[smem:$0x3F9A] =	sst s3  }
0xc: {  	[smem:$0x3F9B] =	sst s4  }
0xd: {  	[smem:$0x3F9C] =	sst s5  }
0xe: {  	[smem:$0x3F9D] =	sst s6  }
0xf: {  	[smem:$0x3F9E] =	sst s7  }
0x10: {  	[smem:$0x3F9F] =	sst s8  }
0x11: {  	[smem:$0x3FA0] =	sst s9;
	s0 =	simm.s32 @!p0 $0x0  }
0x12: {  	s1 =	sld [smem:$0x3F86];
	s0 =	simm.s32 @p0 $0x1  }
0x13: {  	[smem:$0x3FA1] =	sst s0;
	s0 =	simm.s32 @!p1 $0x0  }
0x14: {  	s2 =	sld [smem:$0x3F85];
	s0 =	simm.s32 @p1 $0x1  }
0x15: {  	[smem:$0x3FA2] =	sst s0;
	s0 =	simm.s32 @!p2 $0x0  }
0x16: {  	s3 =	sld [smem:$0x3FDB];
	s0 =	simm.s32 @p2 $0x1  }
0x17: {  	s4 =	simm.s32 $0x1BF5;
	[smem:$0x3FA4] =	sst s0  }
0x18: {  	s0 =	sld [smem:$0x3F87];
	_ =	swait.ge [sflag:s4], $0x0  }
0x19: {  	s7 =	sld [smem:$0x3F88]  }
0x1a: {  	s8 =	sadd.s32 $0xFFFFE003, lr  }
0x1b: {  	s9 =	sadd.s32 $0xFFFFFEF7, lr;
	s5 =	simm.s32 $0xFFFFFFFF;
	p2 =	slt.u32 s8, $0xFFFFF086  }
0x1c: {  	p1 =	slt.u32 s9, $0xF7A;
	s5 =	simm.s32 @!p2 $0x0  }
0x1d: {  	s5 =	simm.s32 @p1 $0x1;
	p0 =	seq.s32 s7, s2  }
0x1e: {  	s7 =	smul.u32 @!p0 $0xF7A, s2;
	p2 =	seq.s32 @!p0 s5, $0x0  }
0x1f: {  	s9 =	smul.u32 $0xF7A, s1;
	s8 =	simm.s32 @!p0 $0x1BF5;
	p2 =	por !p2, p0  }
0x20: {  	[sflag:s8] =	ssyncset.s32 @!p0 $0xFFFFF086;
	s6 =	sadd.s32 @!p0 s3, s7;
	s7 =	simm.s32 @!p0 $0x108  }
0x21: {  	s3 =	sadd.s32 s3, s9;
	s6 =	sadd.s32 @!p0 $0x88, s6;
	s7 =	simm.s32 @p2 $0x1082  }
0x22: {  	[simem:s7], [sflag:s8] =	dma.local @!p0 [hbm:s6], $0xF7A  }
0x23: {  	s9 =	sor.u32 $0xD0000000, s2;
	s6 =	simm.s32 $0x108;
	_ =	swait.ge @!p0 [sflag:s8], $0x0  }
0x24: {  	s3 =	sadd.s32 $0x88, s3;
	s6 =	simm.s32 @!p1 $0x1082;
	[sflag:s4] =	ssyncset.s32 $0xFFFFF086  }
0x25: {  	[simem:s6], [sflag:s4] =	dma.local [hbm:s3], $0xF7A  }
0x26: {  	[smem:$0x3F88] =	sst s1;
	(tag) =	ssettag s2;
	_ =	strace s9  }
0x27: {  	s1 =	sld [smem:$0x3F98]  }
0x28: {  	s2 =	sld [smem:$0x3F99]  }
0x29: {  	s4 =	sld [smem:$0x3F9B]  }
0x2a: {  	p0 =	seq.s32 s5, $0x0;
	s5 =	sld [smem:$0x3F9C]  }
0x2b: {  	s6 =	sld [smem:$0x3F9D]  }
0x2c: {  	s7 =	sld [smem:$0x3F9E]  }
0x2d: {  	s3 =	simm.s32 $0x108;
	s8 =	sld [smem:$0x3F9F]  }
0x2e: {  	s3 =	simm.s32 @!p0 $0x1082;
	s9 =	sld [smem:$0x3FA0]  }
0x2f: {  	lr =	sadd.s32 s0, s3;
	s0 =	sld [smem:$0x3F97]  }
0x30: {  	s3 =	sld [smem:$0x3F9A]  }
0x31: {  	[smem:$0x3FA3] =	sst s10  }
0x32: {  	s10 =	sld [smem:$0x3FA1];
	_ =	sdelay $0x3  }
0x33: {  	p0 =	seq.s32 s10, $0x1;
	s10 =	sld [smem:$0x3FA3];
	_ =	sdelay $0x3  }
0x34: {  	[smem:$0x3FA3] =	sst s10  }
0x35: {  	s10 =	sld [smem:$0x3FA2];
	_ =	sdelay $0x3  }
0x36: {  	p1 =	seq.s32 s10, $0x1;
	s10 =	sld [smem:$0x3FA3];
	_ =	sdelay $0x3  }
0x37: {  	[smem:$0x3FA3] =	sst s10  }
0x38: {  	s10 =	sld [smem:$0x3FA4]  }
0x39: {  	_ = 	snop;
	(pc) =	sbr.ind lr, $3  }
0x3a: {  	_ = 	snop  }
0x3b: {  	_ = 	snop  }
0x3c: {  	p2 =	seq.s32 s10, $0x1;
	s10 =	sld [smem:$0x3FA3]  }
0x3d: {  	_ =	shalt  }
0x3e: {  	_ =	shalt  }
0x3f: {  	_ =	shalt  }
0x40: {  	_ =	shalt  }
0x41: {  	_ =	shalt  }
0x42: {  	_ =	shalt  }
0x43: {  	_ =	shalt  }
0x44: {  	_ =	shalt  }
0x45: {  	_ =	shalt  }
0x46: {  	_ =	shalt  }
0x47: {  	_ =	shalt  }
0x48: {  	_ =	shalt  }
0x49: {  	_ =	shalt  }
0x4a: {  	_ =	shalt  }
0x4b: {  	_ =	shalt  }
0x4c: {  	_ =	shalt  }
0x4d: {  	_ =	shalt  }
0x4e: {  	_ =	shalt  }
0x4f: {  	_ =	shalt  }
0x50: {  	_ =	shalt  }
0x51: {  	_ =	shalt  }
0x52: {  	_ =	shalt  }
0x53: {  	_ =	shalt  }
0x54: {  	_ =	shalt  }
0x55: {  	_ =	shalt  }
0x56: {  	_ =	shalt  }
0x57: {  	_ =	shalt  }
0x58: {  	_ =	shalt  }
0x59: {  	_ =	shalt  }
0x5a: {  	_ =	shalt  }
0x5b: {  	_ =	shalt  }
0x5c: {  	_ =	shalt  }
0x5d: {  	_ =	shalt  }
0x5e: {  	_ =	shalt  }
0x5f: {  	_ =	shalt  }
0x60: {  	_ =	shalt  }
0x61: {  	_ =	shalt  }
0x62: {  	_ =	shalt  }
0x63: {  	_ =	shalt  }
0x64: {  	_ =	shalt  }
0x65: {  	_ =	shalt  }
0x66: {  	_ =	shalt  }
0x67: {  	_ =	shalt  }
0x68: {  	_ =	shalt  }
0x69: {  	_ =	shalt  }
0x6a: {  	_ =	shalt  }
0x6b: {  	_ =	shalt  }
0x6c: {  	_ =	shalt  }
0x6d: {  	_ =	shalt  }
0x6e: {  	_ =	shalt  }
0x6f: {  	_ =	shalt  }
0x70: {  	_ =	shalt  }
0x71: {  	_ =	shalt  }
0x72: {  	_ =	shalt  }
0x73: {  	_ =	shalt  }
0x74: {  	_ =	shalt  }
0x75: {  	_ =	shalt  }
0x76: {  	_ =	shalt  }
0x77: {  	_ =	shalt  }
0x78: {  	_ =	shalt  }
0x79: {  	_ =	shalt  }
0x7a: {  	_ =	shalt  }
0x7b: {  	_ =	shalt  }
0x7c: {  	_ =	shalt  }
0x7d: {  	_ =	shalt  }
0x7e: {  	_ =	shalt  }
0x7f: {  	_ =	shalt  }
0x80: {  	_ =	shalt  }
0x81: {  	_ =	shalt  }
0x82: {  	_ =	shalt  }
0x83: {  	_ =	shalt  }
0x84: {  	_ =	shalt  }
0x85: {  	_ =	shalt  }
0x86: {  	_ =	shalt  }
0x87: {  	_ =	shalt  }
.Lfunc_end0:
.L_simem_size_0:
called_computation_lowered:
.L_overlay_start_0:
0x88: {  	s2 =	sld [smem:$0x3FD9]  }
0x89: {  	s3 =	sld [smem:$0x3FFE];
	_ =	sdelay $0x1  }
0x8a: {  	s1 =	srdreg.scid  }
0x8b: {  	s0 =	sand.u32 $0x1, s1  }
0x8c: {  	s17 =	sshll.u32 s0, $0xA;
	s2 =	sadd.s32 s3, s2  }
0x8d: {  	s2 =	sadd.s32 s2, s17  }
0x8e: {  	[smem:$0x3FAF] =	sst s2  }
0x8f: {  	_ = 	snop  }
0x90: {  	s2 =	sld [smem:$0x3FC9];
	(tm) =	ssettm $0x1  }
0x91: {  	s18 =	sld [smem:$0x3FFB];
	_ =	sdelay $0x3  }
0x92: {  	_ =	strace s18  }
0x93: {  	s3 =	sld [smem:$0x3FFC];
	_ =	sdelay $0x3  }
0x94: {  	_ =	strace s3  }
0x95: {  	s3 =	sld [smem:$0x3FFD];
	_ =	sdelay $0x3  }
0x96: {  	_ =	strace s3  }
0x97: {  	_ =	strace $0x8FFFFFFF  }
0x98: {  	s19 =	sld [smem:$0x3FDB];
	_ =	sdelay $0x1  }
0x99: {  	s4 =	simm.s32 $_scs_section_size  }
0x9a: {  	s5 =	simm.s32 $_size__tile_overlayer_lowered;
	s6 =	simm.s32 $_tile_overlayer_lowered  }
0x9b: {  	s22 =	simm.s32 $0x1BFF;
	s21 =	sshll.u32 s6, $0x1;
	s3 =	sadd.s32 s4, s19  }
0x9c: {  	s7 =	simm.s32 $0x0;
	s20 =	sshll.u32 s5, $0x1;
	s5 =	sadd.s32 s21, s3  }
0x9d: {  	[timem:s7], [sflag:s22] =	dma.local [hbm:s5], s20  }
0x9e: {  	_ =	swait.ge [sflag:s22], s20  }
0x9f: {  	s4 =	ssub.s32 $0x0, s20;
	[sflag:s22] =	ssyncset.done $0x0  }
0xa0: {  	[sflag:s22] =	ssyncadd.s32 s4;
	_ =	sdelay $0x1  }
0xa1: {  	s23 =	simm.s32 $0x1B8B  }
0xa2: {  	_ =	swait.ge [sflag:s23], $0x1  }
0xa3: {  	[sflag:s23] =	ssyncset.done $0x0  }
0xa4: {  	s25 =	simm.s32 $0x1B8E;
	s24 =	sld [smem:$0x3FFE];
	[sflag:s23] =	ssyncadd.s32 $0xFFFFFFFF  }
0xa5: {  	s26 =	simm.s32 $execute0_lowered;
	[smem:$0x3FD2] =	sst s25  }
0xa6: {  	s5 =	sshll.u32 s26, $0x1;
	_ =	strace $0x80000046;
	[dreg:$0x1] =	wrdreg $0xFFFFFFFF  }
0xa7: {  	s28 =	simm.s32 $_size_execute0_lowered;
	s3 =	sadd.s32 s3, s5;
	[dreg:$0x0] =	wrdreg $0x0  }
0xa8: {  	s5 =	sshll.u32 s28, $0x1;
	[dreg:$0x2] =	wrdreg s3  }
0xa9: {  	[dreg:$0x3] =	wrdreg s5  }
0xaa: {  	[dreg:$0x4] =	wrdreg $0xC0  }
0xab: {  	_ =	task [dreg:s7], $0x5FFFF  }
0xac: {  	[dreg:$0x1] =	wrdreg $0xFFFFFFFF  }
0xad: {  	[dreg:$0x0] =	wrdreg $0x60  }
0xae: {  	[dreg:$0x2] =	wrdreg s24  }
0xaf: {  	[dreg:$0x3] =	wrdreg s2  }
0xb0: {  	[dreg:$0x4] =	wrdreg $0x9  }
0xb1: {  	_ =	task.clear_ibuf [dreg:s7], $0x5FFFF;
	_ =	strace $0x90000046  }
0xb2: {  	s29 =	simm.s32 $0x9;
	_ =	strace $0x80000048  }
0xb3: {  	_ =	swait.ge [sflag:s29], $0x1  }
0xb4: {  	[sflag:s29] =	ssyncadd.s32 $0xFFFFFFFF  }
0xb5: {  	_ =	strace $0x90000048  }
0xb6: {  	_ =	sfence  }
0xb7: {  	s30 =	sld [smem:$0x0];
	_ =	sdelay $0x2  }
0xb8: {  	s31 =	sshll.u32 s1, $0xD;
	s1 =	sshrl.u32 s1, $0x2  }
0xb9: {  	s3 =	sand.u32 $0x4000, s31;
	s1 =	sadd.s32 s1, s30  }
0xba: {  	s0 =	sor.u32 s3, s0;
	s1 =	sshll.u32 s1, $0x11  }
0xbb: {  	s0 =	sor.u32 s1, s0  }
0xbc: {  	s0 =	sadd.s32 $0x8F2B, s0  }
0xbd: {  	[sflag:s0] =	ssyncadd.remote.s32 $0x1  }
0xbe: {  	_ =	sfence.sel $0xFFFF  }
0xbf: {  	[dreg:$0x0] =	wrdreg $0xFFFFFFFF;
	(pc) =	sbr.abs _section_cstart, $3  }
0xc0: {  	[dreg:$0x1] =	wrdreg $0xFFFFFFFF  }
0xc1: {  	_ =	task.clear_ibuf [dreg:s7], $0x2FFFF;
	_ =	strace $0x9FFFFFFF  }
0xc2: {  	(tm) =	ssettm $0x7FFFFFFF  }
0xc3: {  	_ =	shalt  }
tec
execute0_lowered:
.L_overlay_start_1:
0x0: {  	(tag) =	ssettag $0x1  }
0x1: {  	s0 =	rddreg [dreg:$0x0]  }
0x2: {  	s2 =	rddreg [dreg:$0x1];
	s3 =	simm.s32 $0x0  }
0x3: {  	s13 =	stileid.u32;
	s1 =	srdreg.scid;
	s21 =	simm.s32 $0x3200  }
0x4: {  	s22 =	simm.s32 $0x3A00;
	s23 =	simm.s32 $0x4200;
	s7 =	smul.u32 $0x9C400, s13  }
0x5: {  	s24 =	simm.s32 $0x4A00;
	s25 =	simm.s32 $0x50;
	s8 =	smul.u32 $0x4E200, s13  }
0x6: {  	s1 =	sand.u32 $0x1, s1;
	s4 =	sshll.u32 s13, $0x1;
	s13 =	smul.u32 $0x4E20, s13  }
0x7: {  	s26 =	simm.s32 $0xA200;
	s28 =	simm.s32 $0x0;
	s10 =	smul.u32 $0x27100, s1  }
0x8: {  	[smem:$0x7FF] =	sst s3;
	s6 =	sadd.s32 $0x5000, s0;
	s12 =	smul.u32 $0x4E200, s1  }
0x9: {  	s5 =	sor.u32 s1, s4;
	s29 =	ssub.s32 $0x2, s1;
	s1 =	smul.u32 $0x2710, s1  }
0xa: {  	_ =	strace $0x80000047;
	s4 =	sadd.s32 $0x18C00, s0;
	s9 =	smul.u32 $0x2710, s5  }
0xb: {  	s5 =	sadd.s32 $0xEE00, s0;
	s11 =	sadd.s32 s7, s0;
	s30 =	sshrl.u32 s29, $0x1  }
.Ltmp0:
0xc: {  	s0 =	sadd.s32 s8, s0;
	s14 =	ssub.s32 s29, s30;
	(pc) =	sbr.rel .LBB2_1-.Ltmp0, $4  }
0xd: {  	s0 =	sadd.s32 s10, s0;
	s11 =	sadd.s32 s12, s11;
	s1 =	sadd.s32 s1, s13  }
0xe: {  	v2 =	vlaneseq.u32;
	s13 =	simm.s32 $0x5;
	s31 =	sshrl.u32 s9, $0x3;
	s9 =	smax.u32 s14, $0x1  }
0xf: {  	vm0 =	vmmov $0xffff;
	v1 =	vshrl.u32 v2, $0x3;
	s10 =	sadd.s32 $0xA2AE00, s0;
	s11 =	sadd.s32 $0x66E00, s11;
	s12 =	sadd.s32 $0x50, s1  }
0x10: {  	v0 =	vand.u32 $0x7, v2;
	v2 =	vor.u32 $0x8, v2;
	v1 =	vmul.u32 $0x8, v1;
	s14 =	simm.s32 $0x100;
	s7 =	sadd.s32 s5, s31;
	s8 =	sadd.s32 s6, s31  }
.LBB2_5:
0x11: {  	s28 =	sadd.s32 $0x1, s28  }
0x12: {  	p0 =	sne.s32 s28, s9  }
.Ltmp1:
0x13: {  	_ = 	snop;
	(pc) =	sbr.rel @!p0 .LBB2_6-.Ltmp1, $1  }
0x14: {  	_ =	sdelay $0x3  }
.LBB2_1:
0x15: {  	[tilespmem:s3], [sflag:$0x5] =	stream.linear.gather [hbm4b:s7+s3], $0x50, $0x38;
	[tilespmem:$0xF200] =	vst v63  }
0x16: {  	_ =	swait.ge [sflag:s13], $0x50  }
0x17: {  	[sflag:s13] =	ssyncset.done $0x0  }
0x18: {  	[sflag:s13] =	ssyncadd.s32 $0xFFFFFFB0  }
0x19: {  	[tilespmem:s14], [sflag:$0x5] =	stream.linear.gather [hbm4b:s8+s3], $0x50, $0x38;
	[tilespmem:$0xF200] =	vst v63  }
0x1a: {  	_ =	swait.ge [sflag:s13], $0x50  }
0x1b: {  	[sflag:s13] =	ssyncset.done $0x0  }
0x1c: {  	[sflag:s13] =	ssyncadd.s32 $0xFFFFFFB0  }
0x1d: {  	v3 =	vld [tilespmem:$0x0];
	_ =	sdelay $0x4  }
0x1e: {  	v4 =	vshll.u32 v3, $0x1  }
0x1f: {  	v3 =	vand.u32 $0x7, v3;
	v4 =	vand.u32 $0xFFFFFFF0, v4  }
0x20: {  	v3 =	vor.u32 v3, v4  }
0x21: {  	v4 =	vperm.xlane v3, v0;
	_ =	sdelay $0x1  }
0x22: {  	v3 =	vperm.xlane v3, v2;
	v4 =	vadd.s32 v1, v4;
	_ =	sdelay $0x1  }
0x23: {  	v3 =	vadd.s32 v1, v3;
	_ =	sdelay $0x1  }
0x24: {  	s0 =	simm.s32 $0x200  }
0x25: {  	[tilespmem:s0], [sflag:$0x1] =	stream.indirect_vreg.gather [hbm4b:s4+s3], $0x80, v4, vm0, $0xb8;
	[tilespmem:$0xF200] =	vst v63  }
0x26: {  	s16 =	simm.s32 $0xA00  }
0x27: {  	[tilespmem:s16], [sflag:$0x1] =	stream.indirect_vreg.gather [hbm4b:s4+s3], $0x80, v3, vm0, $0xb8;
	[tilespmem:$0xF200] =	vst v63  }
0x28: {  	v3 =	vld [tilespmem:$0x10];
	_ =	sdelay $0x4  }
0x29: {  	v60 =	vshll.u32 v3, $0x1  }
0x2a: {  	v3 =	vand.u32 $0x7, v3;
	v4 =	vand.u32 $0xFFFFFFF0, v60  }
0x2b: {  	v3 =	vor.u32 v3, v4  }
0x2c: {  	v4 =	vperm.xlane v3, v0;
	_ =	sdelay $0x1  }
0x2d: {  	v3 =	vperm.xlane v3, v2;
	v4 =	vadd.s32 v1, v4;
	_ =	sdelay $0x1  }
0x2e: {  	v3 =	vadd.s32 v1, v3;
	_ =	sdelay $0x1  }
0x2f: {  	s17 =	simm.s32 $0x1200  }
0x30: {  	[tilespmem:s17], [sflag:$0x1] =	stream.indirect_vreg.gather [hbm4b:s4+s3], $0x80, v4, vm0, $0xb8;
	[tilespmem:$0xF200] =	vst v63  }
0x31: {  	s18 =	simm.s32 $0x1A00  }
0x32: {  	[tilespmem:s18], [sflag:$0x1] =	stream.indirect_vreg.gather [hbm4b:s4+s3], $0x80, v3, vm0, $0xb8;
	[tilespmem:$0xF200] =	vst v63  }
0x33: {  	v3 =	vld [tilespmem:$0x20];
	_ =	sdelay $0x4  }
0x34: {  	v61 =	vshll.u32 v3, $0x1  }
0x35: {  	v3 =	vand.u32 $0x7, v3;
	v4 =	vand.u32 $0xFFFFFFF0, v61  }
0x36: {  	v3 =	vor.u32 v3, v4  }
0x37: {  	v4 =	vperm.xlane v3, v0;
	_ =	sdelay $0x1  }
0x38: {  	v3 =	vperm.xlane v3, v2;
	v4 =	vadd.s32 v1, v4;
	_ =	sdelay $0x1  }
0x39: {  	v3 =	vadd.s32 v1, v3;
	_ =	sdelay $0x1  }
0x3a: {  	s19 =	simm.s32 $0x2200  }
0x3b: {  	[tilespmem:s19], [sflag:$0x1] =	stream.indirect_vreg.gather [hbm4b:s4+s3], $0x80, v4, vm0, $0xb8;
	[tilespmem:$0xF200] =	vst v63  }
0x3c: {  	s20 =	simm.s32 $0x2A00  }
0x3d: {  	[tilespmem:s20], [sflag:$0x1] =	stream.indirect_vreg.gather [hbm4b:s4+s3], $0x80, v3, vm0, $0xb8;
	[tilespmem:$0xF200] =	vst v63  }
0x3e: {  	v3 =	vld [tilespmem:$0x30];
	_ =	sdelay $0x4  }
0x3f: {  	v62 =	vshll.u32 v3, $0x1  }
0x40: {  	v3 =	vand.u32 $0x7, v3;
	v4 =	vand.u32 $0xFFFFFFF0, v62  }
0x41: {  	v3 =	vor.u32 v3, v4  }
0x42: {  	v4 =	vperm.xlane v3, v0;
	_ =	sdelay $0x1  }
0x43: {  	v3 =	vperm.xlane v3, v2;
	v4 =	vadd.s32 v1, v4;
	_ =	sdelay $0x1  }
0x44: {  	v3 =	vadd.s32 v1, v3;
	_ =	sdelay $0x2  }
0x45: {  	[tilespmem:s21], [sflag:$0x1] =	stream.indirect_vreg.gather [hbm4b:s4+s3], $0x80, v4, vm0, $0xb8;
	[tilespmem:$0xF200] =	vst v63  }
0x46: {  	_ = 	snop  }
0x47: {  	[tilespmem:s22], [sflag:$0x1] =	stream.indirect_vreg.gather [hbm4b:s4+s3], $0x80, v3, vm0, $0xb8;
	[tilespmem:$0xF200] =	vst v63  }
0x48: {  	v3 =	vld [tilespmem:$0x40];
	_ =	sdelay $0x4  }
0x49: {  	v63 =	vshll.u32 v3, $0x1  }
0x4a: {  	v3 =	vand.u32 $0x7, v3;
	v4 =	vand.u32 $0xFFFFFFF0, v63  }
0x4b: {  	v3 =	vor.u32 v3, v4  }
0x4c: {  	v4 =	vperm.xlane v3, v0;
	_ =	sdelay $0x1  }
0x4d: {  	v4 =	vadd.s32 v1, v4  }
0x4e: {  	v3 =	vperm.xlane v3, v2;
	_ =	sdelay $0x1  }
0x4f: {  	v3 =	vadd.s32 v1, v3;
	_ =	sdelay $0x1  }
0x50: {  	[tilespmem:s23], [sflag:$0x1] =	stream.indirect_vreg.gather [hbm4b:s4+s3], $0x80, v4, vm0, $0xb8;
	[tilespmem:$0xF200] =	vst v63  }
.Ltmp2:
0x51: {  	_ = 	snop;
	(pc) =	sbr.rel .LBB2_2-.Ltmp2, $4  }
0x52: {  	s29 =	smov.u32 s12  }
0x53: {  	[tilespmem:s24], [sflag:$0x1] =	stream.indirect_vreg.gather [hbm4b:s4+s3], $0x80, v3, vm0, $0xb8;
	[tilespmem:$0xF200] =	vst v63  }
0x54: {  	s30 =	smov.u32 s11;
	s31 =	smov.u32 s10;
	s0 =	simm.s32 $0x0  }
0x55: {  	[tilespmem:s26], [sflag:$0x3] =	stream.indirect.gather [hbm4b:s2+s25], $0x80, s14, s25, $0xb8;
	[tilespmem:$0xF200] =	vst v63  }
.LBB2_4:
0x56: {  	s15 =	sadd.s32 $0x1, s1  }
0x57: {  	_ =	swait.ge [sflag:s15], $0x5000  }
0x58: {  	[sflag:s15] =	ssyncset.done $0x0  }
0x59: {  	s18 =	sadd.s32 $0x3, s1;
	s16 =	smul.u32 $0x14000, s1;
	[sflag:s15] =	ssyncadd.s32 $0xFFFFB000  }
0x5a: {  	_ =	swait.ge [sflag:s18], $0x2800  }
0x5b: {  	s16 =	sshrl.u32 s16, $0x2;
	[sflag:s18] =	ssyncset.done $0x0  }
0x5c: {  	s19 =	smul.u32 $0xA000, s1;
	s20 =	sor.u32 $0x200, s16;
	[sflag:s18] =	ssyncadd.s32 $0xFFFFD800  }
0x5d: {  	[hbm4b:s30+s3] =	stream.linear.scatter [tilespmem:s20], [sflag:$0x5], $0x5000, $0x38;
	[tilespmem:$0xF200] =	vst v63  }
0x5e: {  	s0 =	sadd.s32 $0x1, s0;
	_ =	swait.ge [sflag:s13], $0x5000  }
0x5f: {  	p0 =	sne.s32 s0, $0x7D;
	s1 =	sshrl.u32 s19, $0x2;
	[sflag:s13] =	ssyncset.done $0x0  }
.Ltmp3:
0x60: {  	s1 =	sadd.s32 $0xA200, s1;
	[sflag:s13] =	ssyncadd.s32 $0xFFFFB000;
	(pc) =	sbr.rel @!p0 .LBB2_5-.Ltmp3, $4  }
0x61: {  	[hbm4b:s31+s3] =	stream.linear.scatter [tilespmem:s1], [sflag:$0x5], $0x2800, $0x38;
	[tilespmem:$0xF200] =	vst v63  }
0x62: {  	_ =	swait.ge [sflag:s13], $0x2800  }
0x63: {  	s29 =	sadd.s32 $0x50, s29;
	[sflag:s13] =	ssyncset.done $0x0  }
0x64: {  	s30 =	sadd.s32 $0xA00, s30;
	s31 =	sadd.s32 $0x500, s31;
	[sflag:s13] =	ssyncadd.s32 $0xFFFFD800  }
.LBB2_2:
0x65: {  	p0 =	seq.s32 s0, $0x7C  }
.Ltmp4:
0x66: {  	_ = 	snop;
	(pc) =	sbr.rel @p0 .LBB2_4-.Ltmp4, $2  }
0x67: {  	_ =	sdelay $0x2  }
0x68: {  	s1 =	sand.u32 $0x1, s0  }
0x69: {  	s15 =	sxor.u32 $0x1, s1;
	s18 =	sshrl.u32 s29, $0x3  }
0x6a: {  	s17 =	sshll.u32 s15, $0x7;
	s16 =	sadd.s32 s5, s18  }
0x6b: {  	[tilespmem:s17], [sflag:$0x5] =	stream.linear.gather [hbm4b:s16+s3], $0x50, $0x38;
	[tilespmem:$0xF200] =	vst v63  }
0x6c: {  	_ =	swait.ge [sflag:s13], $0x50  }
0x6d: {  	[sflag:s13] =	ssyncset.done $0x0  }
0x6e: {  	s18 =	sadd.s32 s6, s18;
	s16 =	sor.u32 $0x100, s17;
	[sflag:s13] =	ssyncadd.s32 $0xFFFFFFB0  }
0x6f: {  	[tilespmem:s16], [sflag:$0x5] =	stream.linear.gather [hbm4b:s18+s3], $0x50, $0x38;
	[tilespmem:$0xF200] =	vst v63  }
0x70: {  	_ =	swait.ge [sflag:s13], $0x50  }
0x71: {  	[sflag:s13] =	ssyncset.done $0x0  }
0x72: {  	[sflag:s13] =	ssyncadd.s32 $0xFFFFFFB0  }
0x73: {  	v3 =	vld [tilespmem:s17+$0x0];
	_ =	sdelay $0x4  }
0x74: {  	v4 =	vshll.u32 v3, $0x1  }
0x75: {  	v3 =	vand.u32 $0x7, v3;
	v4 =	vand.u32 $0xFFFFFFF0, v4  }
0x76: {  	v3 =	vor.u32 v3, v4  }
0x77: {  	v4 =	vperm.xlane v3, v0;
	_ =	sdelay $0x1  }
0x78: {  	v3 =	vperm.xlane v3, v2;
	v4 =	vadd.s32 v1, v4  }
0x79: {  	s20 =	smul.u32 $0x14000, s15  }
0x7a: {  	v3 =	vadd.s32 v1, v3  }
0x7b: {  	s18 =	sshrl.u32 s20, $0x2  }
0x7c: {  	s20 =	sadd.s32 $0x1, s15;
	s19 =	sor.u32 $0x200, s18  }
0x7d: {  	[tilespmem:s19], [sflag:s20] =	stream.indirect_vreg.gather [hbm4b:s4+s3], $0x80, v4, vm0, $0xb8;
	[tilespmem:$0xF200] =	vst v63  }
0x7e: {  	s19 =	sor.u32 $0xA00, s18  }
0x7f: {  	[tilespmem:s19], [sflag:s20] =	stream.indirect_vreg.gather [hbm4b:s4+s3], $0x80, v3, vm0, $0xb8;
	[tilespmem:$0xF200] =	vst v63  }
0x80: {  	v3 =	vld [tilespmem:s17+$0x10];
	_ =	sdelay $0x4  }
0x81: {  	v60 =	vshll.u32 v3, $0x1  }
0x82: {  	v3 =	vand.u32 $0x7, v3;
	v4 =	vand.u32 $0xFFFFFFF0, v60  }
0x83: {  	v3 =	vor.u32 v3, v4  }
0x84: {  	v4 =	vperm.xlane v3, v0;
	_ =	sdelay $0x1  }
0x85: {  	v3 =	vperm.xlane v3, v2;
	v4 =	vadd.s32 v1, v4;
	_ =	sdelay $0x1  }
0x86: {  	v3 =	vadd.s32 v1, v3;
	_ =	sdelay $0x1  }
0x87: {  	s19 =	sadd.s32 $0x1200, s18  }
0x88: {  	[tilespmem:s19], [sflag:s20] =	stream.indirect_vreg.gather [hbm4b:s4+s3], $0x80, v4, vm0, $0xb8;
	[tilespmem:$0xF200] =	vst v63  }
0x89: {  	s19 =	sadd.s32 $0x1A00, s18  }
0x8a: {  	[tilespmem:s19], [sflag:s20] =	stream.indirect_vreg.gather [hbm4b:s4+s3], $0x80, v3, vm0, $0xb8;
	[tilespmem:$0xF200] =	vst v63  }
0x8b: {  	v3 =	vld [tilespmem:s17+$0x20];
	_ =	sdelay $0x4  }
0x8c: {  	v61 =	vshll.u32 v3, $0x1  }
0x8d: {  	v3 =	vand.u32 $0x7, v3;
	v4 =	vand.u32 $0xFFFFFFF0, v61  }
0x8e: {  	v3 =	vor.u32 v3, v4  }
0x8f: {  	v4 =	vperm.xlane v3, v0;
	_ =	sdelay $0x1  }
0x90: {  	v3 =	vperm.xlane v3, v2;
	v4 =	vadd.s32 v1, v4;
	_ =	sdelay $0x1  }
0x91: {  	v3 =	vadd.s32 v1, v3;
	_ =	sdelay $0x1  }
0x92: {  	s19 =	sadd.s32 $0x2200, s18  }
0x93: {  	[tilespmem:s19], [sflag:s20] =	stream.indirect_vreg.gather [hbm4b:s4+s3], $0x80, v4, vm0, $0xb8;
	[tilespmem:$0xF200] =	vst v63  }
0x94: {  	s19 =	sadd.s32 $0x2A00, s18  }
0x95: {  	[tilespmem:s19], [sflag:s20] =	stream.indirect_vreg.gather [hbm4b:s4+s3], $0x80, v3, vm0, $0xb8;
	[tilespmem:$0xF200] =	vst v63  }
0x96: {  	v3 =	vld [tilespmem:s17+$0x30];
	_ =	sdelay $0x4  }
0x97: {  	v62 =	vshll.u32 v3, $0x1  }
0x98: {  	v3 =	vand.u32 $0x7, v3;
	v4 =	vand.u32 $0xFFFFFFF0, v62  }
0x99: {  	v3 =	vor.u32 v3, v4  }
0x9a: {  	v4 =	vperm.xlane v3, v0;
	_ =	sdelay $0x1  }
0x9b: {  	v3 =	vperm.xlane v3, v2;
	v4 =	vadd.s32 v1, v4;
	_ =	sdelay $0x1  }
0x9c: {  	v3 =	vadd.s32 v1, v3;
	_ =	sdelay $0x1  }
0x9d: {  	s19 =	sadd.s32 $0x3200, s18  }
0x9e: {  	[tilespmem:s19], [sflag:s20] =	stream.indirect_vreg.gather [hbm4b:s4+s3], $0x80, v4, vm0, $0xb8;
	[tilespmem:$0xF200] =	vst v63  }
0x9f: {  	s19 =	sadd.s32 $0x3A00, s18  }
0xa0: {  	[tilespmem:s19], [sflag:s20] =	stream.indirect_vreg.gather [hbm4b:s4+s3], $0x80, v3, vm0, $0xb8;
	[tilespmem:$0xF200] =	vst v63  }
0xa1: {  	v3 =	vld [tilespmem:s17+$0x40];
	_ =	sdelay $0x4  }
0xa2: {  	v63 =	vshll.u32 v3, $0x1  }
0xa3: {  	v3 =	vand.u32 $0x7, v3;
	v4 =	vand.u32 $0xFFFFFFF0, v63  }
0xa4: {  	v3 =	vor.u32 v3, v4  }
0xa5: {  	v4 =	vperm.xlane v3, v0;
	_ =	sdelay $0x1  }
0xa6: {  	v4 =	vadd.s32 v1, v4  }
0xa7: {  	v3 =	vperm.xlane v3, v2;
	_ =	sdelay $0x1  }
0xa8: {  	v3 =	vadd.s32 v1, v3  }
0xa9: {  	s19 =	sadd.s32 $0x4200, s18  }
0xaa: {  	[tilespmem:s19], [sflag:s20] =	stream.indirect_vreg.gather [hbm4b:s4+s3], $0x80, v4, vm0, $0xb8;
	[tilespmem:$0xF200] =	vst v63  }
0xab: {  	s19 =	smul.u32 $0xA000, s15  }
.Ltmp5:
0xac: {  	s18 =	sadd.s32 $0x4A00, s18;
	(pc) =	sbr.rel .LBB2_4-.Ltmp5, $4  }
0xad: {  	[tilespmem:s18], [sflag:s20] =	stream.indirect_vreg.gather [hbm4b:s4+s3], $0x80, v3, vm0, $0xb8;
	[tilespmem:$0xF200] =	vst v63  }
0xae: {  	s20 =	sshrl.u32 s19, $0x2  }
0xaf: {  	s15 =	sadd.s32 $0x3, s15;
	s17 =	sadd.s32 $0xA200, s20  }
0xb0: {  	[tilespmem:s17], [sflag:s15] =	stream.indirect.gather [hbm4b:s2+s25], $0x80, s16, s25, $0xb8;
	[tilespmem:$0xF200] =	vst v63  }
.LBB2_6:
0xb1: {  	_ =	sfence.sel $0x180000  }
0xb2: {  	[bflag:$0x0] =	sbarrier.arrive $0xFFFF  }
0xb3: {  	_ =	strace $0x90000047  }
0xb4: {  	s0 =	stileid.u32;
	[bflag:$0x2] =	sbarrier.arrive $0xFFFF  }
0xb5: {  	p0 =	sne.s32 s0, $0x0;
	s0 =	rddreg [dreg:$0x2]  }
0xb6: {  	s0 =	sadd.s32 @!p0 $0x100000, s0  }
0xb7: {  	[sflag:s0] =	ssyncadd.tile.s32 @!p0 $0x1;
	_ =	shalt  }
.Lfunc_end2:
_tile_overlayer_lowered:
.L_overlay_start_2:
0xb8: {  	(tag) =	ssettag $0x2  }
0xb9: {  	s0 =	rddreg [dreg:$0x0];
	s2 =	stileid.u32  }
0xba: {  	s1 =	rddreg [dreg:$0x1];
	p0 =	sne.s32 s2, $0x0  }
0xbb: {  	s3 =	rddreg [dreg:$0x2];
	[bflag:$0x3] =	sbarrier.arrive $0xFFFF;
	s2 =	simm.s32 @!p0 $0x1C05  }
0xbc: {  	[timem:s3], [sflag:s2] =	dma.local @!p0 [hbm:s0], s1  }
0xbd: {  	s0 =	simm.s32 @!p0 $0x5  }
0xbe: {  	_ =	swait.ge @!p0 [sflag:s0], s1  }
0xbf: {  	s1 =	ssub.s32 @!p0 $0x0, s1;
	[sflag:s0] =	ssyncset.done @!p0 $0x0  }
0xc0: {  	[sflag:s0] =	ssyncadd.s32 @!p0 s1  }
0xc1: {  	[bflag:$0x3] =	sbarrier.arrive $0xFFFF  }
0xc2: {  	_ =	shalt  }

</sc_bundles>
